<compile_context>
chip_gen: v7x
topology: tpu7x:2x2x1
jax: 0.10.2.dev20260603
libtpu: 0.0.44.dev20260713+nightly
codegen_flags: <defaults>
</compile_context>

<pallas_src>
import functools

import jax
import jax.numpy as jnp
from jax import lax
from jax.experimental import pallas as pl
from jax.experimental.pallas import tpu as pltpu

try:
    from jax.experimental.pallas import tpu_sc as plsc
except ImportError:
    plsc = None

_TOKENS = 8192
_HIDDEN = 2048
_EXPERTS = 64
_K = 8


def _matmul_body(x_ref, wt_ref, b_ref, logits_ref):
    logits_ref[...] = (
        jnp.dot(x_ref[...], wt_ref[...], preferred_element_type=jnp.float32)
        + b_ref[...]
    )


def _tc_logits(x, wt, b, bt=1024):
    return pl.pallas_call(
        _matmul_body,
        grid=(_TOKENS // bt,),
        in_specs=[
            pl.BlockSpec((bt, _HIDDEN), lambda i: (i, 0)),
            pl.BlockSpec((_HIDDEN, _EXPERTS), lambda i: (0, 0)),
            pl.BlockSpec((1, _EXPERTS), lambda i: (0, 0)),
        ],
        out_specs=pl.BlockSpec((bt, _EXPERTS), lambda i: (i, 0)),
        out_shape=jax.ShapeDtypeStruct((_TOKENS, _EXPERTS), jnp.float32),
        compiler_params=pltpu.CompilerParams(
            dimension_semantics=("arbitrary",),
        ),
    )(x, wt, b)



_GDN = lax.GatherDimensionNumbers(
    offset_dims=(), collapsed_slice_dims=(0,), start_index_map=(0,))


def _lane_shuffle(x, perm):
    return lax.gather(
        x, perm[:, None], _GDN, (1,),
        mode=lax.GatherScatterMode.PROMISE_IN_BOUNDS)


def _bfly(x, op):
    idx = lax.iota(jnp.int32, 16)
    for sh in (8, 4, 2, 1):
        perm = jnp.bitwise_xor(idx, sh)
        x = op(x, _lane_shuffle(x, perm))
    return x


def _make_sc_router():
    info = plsc.get_sparse_core_info()
    nc, ns, nl = info.num_cores, info.num_subcores, info.num_lanes
    nw = nc * ns
    rows_per_w = _TOKENS // nw
    nv = _EXPERTS // nl
    mesh = plsc.VectorSubcoreMesh(core_axis_name="c", subcore_axis_name="s")

    @functools.partial(
        pl.kernel,
        mesh=mesh,
        out_type=[
            jax.ShapeDtypeStruct((_TOKENS, _EXPERTS), jnp.float32),
            jax.ShapeDtypeStruct((_TOKENS, nl), jnp.int32),
        ],
        scratch_types=[
            pltpu.VMEM((rows_per_w, _EXPERTS), jnp.float32),
            pltpu.VMEM((rows_per_w, _EXPERTS), jnp.float32),
            pltpu.VMEM((rows_per_w, nl), jnp.int32),
            pltpu.SemaphoreType.DMA,
        ],
    )
    def sc_router(logits_hbm, scores_hbm, idx_hbm, lg_v, sc_v, ix_v, sem):
        wid = lax.axis_index("s") * nc + lax.axis_index("c")
        base = wid * rows_per_w
        pltpu.sync_copy(logits_hbm.at[pl.ds(base, rows_per_w)], lg_v)

        def row_body(r, _):
            vs = [lg_v[r, pl.ds(v * nl, nl)] for v in range(nv)]
            neg_inf = jnp.float32(-jnp.inf)
            work = vs
            ms = []
            for _k in range(_K):
                m4 = jnp.maximum(jnp.maximum(work[0], work[1]),
                                 jnp.maximum(work[2], work[3]))
                m = _bfly(m4, jnp.maximum)
                work = [jnp.where(w == m, neg_inf, w) for w in work]
                ms.append(m)
            m0 = ms[0]
            es = []
            acc = None
            for v in range(nv):
                selv = work[v] == neg_inf
                ev = jnp.where(selv, jnp.exp(vs[v] - m0), 0.0)
                acc = ev if acc is None else acc + ev
                es.append(ev)
            tot = _bfly(acc, jnp.add)
            for v in range(nv):
                sc_v[r, pl.ds(v * nl, nl)] = es[v] / tot
            a1 = None
            a2 = None
            for v in range(nv):
                iota = lax.iota(jnp.int32, nl) + v * nl
                rank = jnp.zeros((nl,), jnp.int32)
                for k in range(1, _K):
                    rank = rank + jnp.where(vs[v] < ms[k - 1], 1, 0)
                selv = work[v] == neg_inf
                sub = jnp.where(rank >= 4, rank - 4, rank)
                contrib = jnp.where(selv, iota << (6 * (3 - sub)), 0)
                lo = rank < 4
                c1 = jnp.where(lo, contrib, 0)
                c2 = contrib - c1
                a1 = c1 if a1 is None else a1 + c1
                a2 = c2 if a2 is None else a2 + c2
            w1 = _bfly(a1, jnp.add)
            w2 = _bfly(a2, jnp.add)
            kio = lax.iota(jnp.int32, nl)
            kv = jnp.where(kio < 4, w1, w2)
            ksub = jnp.minimum(jnp.where(kio >= 4, kio - 4, kio), 3)
            idx16 = (kv >> (6 * (3 - ksub))) & (_EXPERTS - 1)
            ix_v[r, :] = idx16
            return _

        lax.fori_loop(0, rows_per_w, row_body, 0)
        pltpu.sync_copy(sc_v, scores_hbm.at[pl.ds(base, rows_per_w)])
        pltpu.sync_copy(ix_v, idx_hbm.at[pl.ds(base, rows_per_w)])

    return sc_router


@jax.jit
def kernel(hidden_states, weight, bias):
    x = hidden_states.reshape(-1, _HIDDEN)
    wt = weight.T
    b = bias.reshape(1, _EXPERTS)
    logits = _tc_logits(x, wt, b)
    scores, idx16 = _make_sc_router()(logits)
    return (scores, idx16[:, :_K])

# --- scband reference (transcript-rebuilt; emitter-appended) ---
"""Pipeline reference for scband-gptossrouter-18580028523158 (READ-ONLY COPY).

The authoritative reference and input builder live on the scoring server;
editing this copy changes nothing except your own understanding.
"""

import jax, jax.numpy as jnp
import numpy as np

NUM_EXPERTS = 64
TOP_K = 8
HIDDEN = 2048
TOKENS = 8192

def setup_inputs(seed: int = 0) -> dict:
    key = jax.random.key(seed)
    k1, k2, k3 = jax.random.split(key, 3)
    hidden_states = jax.random.normal(k1, (TOKENS, HIDDEN), dtype=jnp.float32)
    weight = jax.random.normal(k2, (NUM_EXPERTS, HIDDEN), dtype=jnp.float32) * (1.0 / np.sqrt(HIDDEN))
    bias = jax.random.normal(k3, (NUM_EXPERTS,), dtype=jnp.float32) * 0.01
    return {"hidden_states": hidden_states, "weight": weight, "bias": bias}

def reference(hidden_states, weight, bias):
    x = hidden_states.reshape(-1, HIDDEN)
    router_logits = x @ weight.T + bias
    router_top_value, router_indices = jax.lax.top_k(router_logits, TOP_K)
    router_top_value = jax.nn.softmax(router_top_value, axis=1)
    rows = jnp.arange(router_logits.shape[0])[:, None]
    router_scores = jnp.zeros_like(router_logits).at[rows, router_indices].set(router_top_value)
    return (router_scores, router_indices)

if __name__ == "__main__":
    import jax
    _d = setup_inputs()
    print(jax.jit(kernel)(*tuple(_d.values())))

</pallas_src>

<mosaic_0001>
#map = affine_map<(d0, d1) -> (0, 0)>
module attributes {stable_mosaic.version = 14 : i64} {
  func.func @sc_router(%arg0: i32, %arg1: i32, %arg2: memref<8192x64xf32, #tpu.memory_space<hbm>>, %arg3: memref<8192x64xf32, #tpu.memory_space<hbm>>, %arg4: memref<8192x16xi32, #tpu.memory_space<hbm>>, %arg5: memref<256x64xf32, #tpu.memory_space<vmem>>, %arg6: memref<256x64xf32, #tpu.memory_space<vmem>>, %arg7: memref<256x16xi32, #tpu.memory_space<vmem>>, %arg8: memref<!tpu.dma_semaphore, #tpu.memory_space<semaphore_mem>>) attributes {dimension_semantics = [#tpu.dimension_semantics<core_parallel>, #tpu.dimension_semantics<subcore_parallel>], iteration_bounds = array<i64: 2, 16>, scalar_prefetch = 0 : i64, scratch_operands = 4 : i64, tpu.core_type = #tpu.core_type<sc_vector_subcore>, window_params = [{transform_indices = #map}, {transform_indices = #map}, {transform_indices = #map}]} {
    %mul3A = arith.constant 2 : i32
    %mul3A_0 = arith.muli %arg1, %mul3A : i32
    %add3A = arith.addi %mul3A_0, %arg0 : i32
    %mul3A_1 = arith.constant 256 : i32
    %mul3A_2 = arith.muli %add3A, %mul3A_1 : i32
    "tpu.region"() ({
      %run_scoped3A = tpu.sem_alloc : memref<!tpu.dma_semaphore, #tpu.memory_space<semaphore_mem>>
      %dma_start3A = arith.constant 0 : i32
      %dma_start3A_8 = tpu.memref_slice %arg2[%mul3A_2, %dma_start3A] : memref<8192x64xf32, #tpu.memory_space<hbm>> -> memref<256x64xf32, #tpu.memory_space<hbm>>
      %dma_start3A_9 = arith.constant 0 : i32
      %dma_start3A_10 = tpu.memref_slice %arg2[%mul3A_2, %dma_start3A_9] : memref<8192x64xf32, #tpu.memory_space<hbm>> -> memref<256x64xf32, #tpu.memory_space<hbm>>
      tpu.enqueue_dma source(%dma_start3A_10 : memref<256x64xf32, #tpu.memory_space<hbm>>) target(%arg5 : memref<256x64xf32, #tpu.memory_space<vmem>>) target_semaphore(%run_scoped3A : memref<!tpu.dma_semaphore, #tpu.memory_space<semaphore_mem>>)
      %dma_wait3A = arith.constant 0 : i32
      %dma_wait3A_11 = tpu.memref_slice %arg2[%mul3A_2, %dma_wait3A] : memref<8192x64xf32, #tpu.memory_space<hbm>> -> memref<256x64xf32, #tpu.memory_space<hbm>>
      %dma_wait3A_12 = arith.constant 0 : i32
      %dma_wait3A_13 = tpu.memref_slice %arg2[%mul3A_2, %dma_wait3A_12] : memref<8192x64xf32, #tpu.memory_space<hbm>> -> memref<256x64xf32, #tpu.memory_space<hbm>>
      tpu.wait_dma2 semaphore(%run_scoped3A : memref<!tpu.dma_semaphore, #tpu.memory_space<semaphore_mem>>) src(%dma_wait3A_13 : memref<256x64xf32, #tpu.memory_space<hbm>>) dst(%arg5 : memref<256x64xf32, #tpu.memory_space<vmem>>)
      tpu.yield
    }) : () -> ()
    %scan3A = arith.constant 0 : i32
    %scan3A_3 = arith.constant 0 : i32
    %scan3A_4 = arith.constant 256 : i32
    %scan3A_5 = arith.addi %scan3A_3, %scan3A_4 : i32
    %scan3A_6 = arith.constant 1 : i32
    scf.for %scan3A_8 = %scan3A_3 to %scan3A_5 step %scan3A_6  : i32 {
      %get3A = arith.index_cast %scan3A_8 : i32 to index
      %get3A_9 = arith.constant 0 : index
      %get3A_10 = tpu.vector_load %arg5[%get3A, %get3A_9] {strides = array<i32>} : memref<256x64xf32, #tpu.memory_space<vmem>>, vector<1x16xf32>,
      %get3A_11 = vector.shape_cast %get3A_10 : vector<1x16xf32> to vector<16xf32>
      %get3A_12 = arith.index_cast %scan3A_8 : i32 to index
      %get3A_13 = arith.constant 16 : index
      %get3A_14 = tpu.vector_load %arg5[%get3A_12, %get3A_13] {strides = array<i32>} : memref<256x64xf32, #tpu.memory_space<vmem>>, vector<1x16xf32>,
      %get3A_15 = vector.shape_cast %get3A_14 : vector<1x16xf32> to vector<16xf32>
      %get3A_16 = arith.index_cast %scan3A_8 : i32 to index
      %get3A_17 = arith.constant 32 : index
      %get3A_18 = tpu.vector_load %arg5[%get3A_16, %get3A_17] {strides = array<i32>} : memref<256x64xf32, #tpu.memory_space<vmem>>, vector<1x16xf32>,
      %get3A_19 = vector.shape_cast %get3A_18 : vector<1x16xf32> to vector<16xf32>
      %get3A_20 = arith.index_cast %scan3A_8 : i32 to index
      %get3A_21 = arith.constant 48 : index
      %get3A_22 = tpu.vector_load %arg5[%get3A_20, %get3A_21] {strides = array<i32>} : memref<256x64xf32, #tpu.memory_space<vmem>>, vector<1x16xf32>,
      %get3A_23 = vector.shape_cast %get3A_22 : vector<1x16xf32> to vector<16xf32>
      %max3A = arith.maximumf %get3A_11, %get3A_15 : vector<16xf32>
      %max3A_24 = arith.maximumf %get3A_19, %get3A_23 : vector<16xf32>
      %max3A_25 = arith.maximumf %max3A, %max3A_24 : vector<16xf32>
      %iota3A = tpu.iota {dimensions = array<i32: 0>} : vector<16xi32>
      %xor3A = arith.constant 8 : i32
      %xor3A_26 = vector.broadcast %xor3A : i32 to vector<16xi32>
      %xor3A_27 = arith.xori %iota3A, %xor3A_26 : vector<16xi32>
      %broadcast_in_dim3A = vector.shape_cast %xor3A_27 : vector<16xi32> to vector<16x1xi32>
      %gather3A = vector.shape_cast %broadcast_in_dim3A : vector<16x1xi32> to vector<16xi32>
      %gather3A_28 = tpu.dynamic_gather %max3A_25[%gather3A] in [0] : vector<16xf32>, vector<16xi32> -> vector<16xf32>
      %max3A_29 = arith.maximumf %max3A_25, %gather3A_28 : vector<16xf32>
      %xor3A_30 = arith.constant 4 : i32
      %xor3A_31 = vector.broadcast %xor3A_30 : i32 to vector<16xi32>
      %xor3A_32 = arith.xori %iota3A, %xor3A_31 : vector<16xi32>
      %broadcast_in_dim3A_33 = vector.shape_cast %xor3A_32 : vector<16xi32> to vector<16x1xi32>
      %gather3A_34 = vector.shape_cast %broadcast_in_dim3A_33 : vector<16x1xi32> to vector<16xi32>
      %gather3A_35 = tpu.dynamic_gather %max3A_29[%gather3A_34] in [0] : vector<16xf32>, vector<16xi32> -> vector<16xf32>
      %max3A_36 = arith.maximumf %max3A_29, %gather3A_35 : vector<16xf32>
      %xor3A_37 = arith.constant 2 : i32
      %xor3A_38 = vector.broadcast %xor3A_37 : i32 to vector<16xi32>
      %xor3A_39 = arith.xori %iota3A, %xor3A_38 : vector<16xi32>
      %broadcast_in_dim3A_40 = vector.shape_cast %xor3A_39 : vector<16xi32> to vector<16x1xi32>
      %gather3A_41 = vector.shape_cast %broadcast_in_dim3A_40 : vector<16x1xi32> to vector<16xi32>
      %gather3A_42 = tpu.dynamic_gather %max3A_36[%gather3A_41] in [0] : vector<16xf32>, vector<16xi32> -> vector<16xf32>
      %max3A_43 = arith.maximumf %max3A_36, %gather3A_42 : vector<16xf32>
      %xor3A_44 = arith.constant 1 : i32
      %xor3A_45 = vector.broadcast %xor3A_44 : i32 to vector<16xi32>
      %xor3A_46 = arith.xori %iota3A, %xor3A_45 : vector<16xi32>
      %broadcast_in_dim3A_47 = vector.shape_cast %xor3A_46 : vector<16xi32> to vector<16x1xi32>
      %gather3A_48 = vector.shape_cast %broadcast_in_dim3A_47 : vector<16x1xi32> to vector<16xi32>
      %gather3A_49 = tpu.dynamic_gather %max3A_43[%gather3A_48] in [0] : vector<16xf32>, vector<16xi32> -> vector<16xf32>
      %max3A_50 = arith.maximumf %max3A_43, %gather3A_49 : vector<16xf32>
      %eq3A = arith.cmpf oeq, %get3A_11, %max3A_50 : vector<16xf32>
      %jit3A = arith.constant 0xFF800000 : f32
      %broadcast_in_dim3A_51 = vector.broadcast %jit3A : f32 to vector<16xf32>
      %select_n3A = arith.select %eq3A, %broadcast_in_dim3A_51, %get3A_11 : vector<16xi1>, vector<16xf32>
      %eq3A_52 = arith.cmpf oeq, %get3A_15, %max3A_50 : vector<16xf32>
      %jit3A_53 = arith.constant 0xFF800000 : f32
      %broadcast_in_dim3A_54 = vector.broadcast %jit3A_53 : f32 to vector<16xf32>
      %select_n3A_55 = arith.select %eq3A_52, %broadcast_in_dim3A_54, %get3A_15 : vector<16xi1>, vector<16xf32>
      %eq3A_56 = arith.cmpf oeq, %get3A_19, %max3A_50 : vector<16xf32>
      %jit3A_57 = arith.constant 0xFF800000 : f32
      %broadcast_in_dim3A_58 = vector.broadcast %jit3A_57 : f32 to vector<16xf32>
      %select_n3A_59 = arith.select %eq3A_56, %broadcast_in_dim3A_58, %get3A_19 : vector<16xi1>, vector<16xf32>
      %eq3A_60 = arith.cmpf oeq, %get3A_23, %max3A_50 : vector<16xf32>
      %jit3A_61 = arith.constant 0xFF800000 : f32
      %broadcast_in_dim3A_62 = vector.broadcast %jit3A_61 : f32 to vector<16xf32>
      %select_n3A_63 = arith.select %eq3A_60, %broadcast_in_dim3A_62, %get3A_23 : vector<16xi1>, vector<16xf32>
      %max3A_64 = arith.maximumf %select_n3A, %select_n3A_55 : vector<16xf32>
      %max3A_65 = arith.maximumf %select_n3A_59, %select_n3A_63 : vector<16xf32>
      %max3A_66 = arith.maximumf %max3A_64, %max3A_65 : vector<16xf32>
      %iota3A_67 = tpu.iota {dimensions = array<i32: 0>} : vector<16xi32>
      %xor3A_68 = arith.constant 8 : i32
      %xor3A_69 = vector.broadcast %xor3A_68 : i32 to vector<16xi32>
      %xor3A_70 = arith.xori %iota3A_67, %xor3A_69 : vector<16xi32>
      %broadcast_in_dim3A_71 = vector.shape_cast %xor3A_70 : vector<16xi32> to vector<16x1xi32>
      %gather3A_72 = vector.shape_cast %broadcast_in_dim3A_71 : vector<16x1xi32> to vector<16xi32>
      %gather3A_73 = tpu.dynamic_gather %max3A_66[%gather3A_72] in [0] : vector<16xf32>, vector<16xi32> -> vector<16xf32>
      %max3A_74 = arith.maximumf %max3A_66, %gather3A_73 : vector<16xf32>
      %xor3A_75 = arith.constant 4 : i32
      %xor3A_76 = vector.broadcast %xor3A_75 : i32 to vector<16xi32>
      %xor3A_77 = arith.xori %iota3A_67, %xor3A_76 : vector<16xi32>
      %broadcast_in_dim3A_78 = vector.shape_cast %xor3A_77 : vector<16xi32> to vector<16x1xi32>
      %gather3A_79 = vector.shape_cast %broadcast_in_dim3A_78 : vector<16x1xi32> to vector<16xi32>
      %gather3A_80 = tpu.dynamic_gather %max3A_74[%gather3A_79] in [0] : vector<16xf32>, vector<16xi32> -> vector<16xf32>
      %max3A_81 = arith.maximumf %max3A_74, %gather3A_80 : vector<16xf32>
      %xor3A_82 = arith.constant 2 : i32
      %xor3A_83 = vector.broadcast %xor3A_82 : i32 to vector<16xi32>
      %xor3A_84 = arith.xori %iota3A_67, %xor3A_83 : vector<16xi32>
      %broadcast_in_dim3A_85 = vector.shape_cast %xor3A_84 : vector<16xi32> to vector<16x1xi32>
      %gather3A_86 = vector.shape_cast %broadcast_in_dim3A_85 : vector<16x1xi32> to vector<16xi32>
      %gather3A_87 = tpu.dynamic_gather %max3A_81[%gather3A_86] in [0] : vector<16xf32>, vector<16xi32> -> vector<16xf32>
      %max3A_88 = arith.maximumf %max3A_81, %gather3A_87 : vector<16xf32>
      %xor3A_89 = arith.constant 1 : i32
      %xor3A_90 = vector.broadcast %xor3A_89 : i32 to vector<16xi32>
      %xor3A_91 = arith.xori %iota3A_67, %xor3A_90 : vector<16xi32>
      %broadcast_in_dim3A_92 = vector.shape_cast %xor3A_91 : vector<16xi32> to vector<16x1xi32>
      %gather3A_93 = vector.shape_cast %broadcast_in_dim3A_92 : vector<16x1xi32> to vector<16xi32>
      %gather3A_94 = tpu.dynamic_gather %max3A_88[%gather3A_93] in [0] : vector<16xf32>, vector<16xi32> -> vector<16xf32>
      %max3A_95 = arith.maximumf %max3A_88, %gather3A_94 : vector<16xf32>
      %eq3A_96 = arith.cmpf oeq, %select_n3A, %max3A_95 : vector<16xf32>
      %jit3A_97 = arith.constant 0xFF800000 : f32
      %broadcast_in_dim3A_98 = vector.broadcast %jit3A_97 : f32 to vector<16xf32>
      %select_n3A_99 = arith.select %eq3A_96, %broadcast_in_dim3A_98, %select_n3A : vector<16xi1>, vector<16xf32>
      %eq3A_100 = arith.cmpf oeq, %select_n3A_55, %max3A_95 : vector<16xf32>
      %jit3A_101 = arith.constant 0xFF800000 : f32
      %broadcast_in_dim3A_102 = vector.broadcast %jit3A_101 : f32 to vector<16xf32>
      %select_n3A_103 = arith.select %eq3A_100, %broadcast_in_dim3A_102, %select_n3A_55 : vector<16xi1>, vector<16xf32>
      %eq3A_104 = arith.cmpf oeq, %select_n3A_59, %max3A_95 : vector<16xf32>
      %jit3A_105 = arith.constant 0xFF800000 : f32
      %broadcast_in_dim3A_106 = vector.broadcast %jit3A_105 : f32 to vector<16xf32>
      %select_n3A_107 = arith.select %eq3A_104, %broadcast_in_dim3A_106, %select_n3A_59 : vector<16xi1>, vector<16xf32>
      %eq3A_108 = arith.cmpf oeq, %select_n3A_63, %max3A_95 : vector<16xf32>
      %jit3A_109 = arith.constant 0xFF800000 : f32
      %broadcast_in_dim3A_110 = vector.broadcast %jit3A_109 : f32 to vector<16xf32>
      %select_n3A_111 = arith.select %eq3A_108, %broadcast_in_dim3A_110, %select_n3A_63 : vector<16xi1>, vector<16xf32>
      %max3A_112 = arith.maximumf %select_n3A_99, %select_n3A_103 : vector<16xf32>
      %max3A_113 = arith.maximumf %select_n3A_107, %select_n3A_111 : vector<16xf32>
      %max3A_114 = arith.maximumf %max3A_112, %max3A_113 : vector<16xf32>
      %iota3A_115 = tpu.iota {dimensions = array<i32: 0>} : vector<16xi32>
      %xor3A_116 = arith.constant 8 : i32
      %xor3A_117 = vector.broadcast %xor3A_116 : i32 to vector<16xi32>
      %xor3A_118 = arith.xori %iota3A_115, %xor3A_117 : vector<16xi32>
      %broadcast_in_dim3A_119 = vector.shape_cast %xor3A_118 : vector<16xi32> to vector<16x1xi32>
      %gather3A_120 = vector.shape_cast %broadcast_in_dim3A_119 : vector<16x1xi32> to vector<16xi32>
      %gather3A_121 = tpu.dynamic_gather %max3A_114[%gather3A_120] in [0] : vector<16xf32>, vector<16xi32> -> vector<16xf32>
      %max3A_122 = arith.maximumf %max3A_114, %gather3A_121 : vector<16xf32>
      %xor3A_123 = arith.constant 4 : i32
      %xor3A_124 = vector.broadcast %xor3A_123 : i32 to vector<16xi32>
      %xor3A_125 = arith.xori %iota3A_115, %xor3A_124 : vector<16xi32>
      %broadcast_in_dim3A_126 = vector.shape_cast %xor3A_125 : vector<16xi32> to vector<16x1xi32>
      %gather3A_127 = vector.shape_cast %broadcast_in_dim3A_126 : vector<16x1xi32> to vector<16xi32>
      %gather3A_128 = tpu.dynamic_gather %max3A_122[%gather3A_127] in [0] : vector<16xf32>, vector<16xi32> -> vector<16xf32>
      %max3A_129 = arith.maximumf %max3A_122, %gather3A_128 : vector<16xf32>
      %xor3A_130 = arith.constant 2 : i32
      %xor3A_131 = vector.broadcast %xor3A_130 : i32 to vector<16xi32>
      %xor3A_132 = arith.xori %iota3A_115, %xor3A_131 : vector<16xi32>
      %broadcast_in_dim3A_133 = vector.shape_cast %xor3A_132 : vector<16xi32> to vector<16x1xi32>
      %gather3A_134 = vector.shape_cast %broadcast_in_dim3A_133 : vector<16x1xi32> to vector<16xi32>
      %gather3A_135 = tpu.dynamic_gather %max3A_129[%gather3A_134] in [0] : vector<16xf32>, vector<16xi32> -> vector<16xf32>
      %max3A_136 = arith.maximumf %max3A_129, %gather3A_135 : vector<16xf32>
      %xor3A_137 = arith.constant 1 : i32
      %xor3A_138 = vector.broadcast %xor3A_137 : i32 to vector<16xi32>
      %xor3A_139 = arith.xori %iota3A_115, %xor3A_138 : vector<16xi32>
      %broadcast_in_dim3A_140 = vector.shape_cast %xor3A_139 : vector<16xi32> to vector<16x1xi32>
      %gather3A_141 = vector.shape_cast %broadcast_in_dim3A_140 : vector<16x1xi32> to vector<16xi32>
      %gather3A_142 = tpu.dynamic_gather %max3A_136[%gather3A_141] in [0] : vector<16xf32>, vector<16xi32> -> vector<16xf32>
      %max3A_143 = arith.maximumf %max3A_136, %gather3A_142 : vector<16xf32>
      %eq3A_144 = arith.cmpf oeq, %select_n3A_99, %max3A_143 : vector<16xf32>
      %jit3A_145 = arith.constant 0xFF800000 : f32
      %broadcast_in_dim3A_146 = vector.broadcast %jit3A_145 : f32 to vector<16xf32>
      %select_n3A_147 = arith.select %eq3A_144, %broadcast_in_dim3A_146, %select_n3A_99 : vector<16xi1>, vector<16xf32>
      %eq3A_148 = arith.cmpf oeq, %select_n3A_103, %max3A_143 : vector<16xf32>
      %jit3A_149 = arith.constant 0xFF800000 : f32
      %broadcast_in_dim3A_150 = vector.broadcast %jit3A_149 : f32 to vector<16xf32>
      %select_n3A_151 = arith.select %eq3A_148, %broadcast_in_dim3A_150, %select_n3A_103 : vector<16xi1>, vector<16xf32>
      %eq3A_152 = arith.cmpf oeq, %select_n3A_107, %max3A_143 : vector<16xf32>
      %jit3A_153 = arith.constant 0xFF800000 : f32
      %broadcast_in_dim3A_154 = vector.broadcast %jit3A_153 : f32 to vector<16xf32>
      %select_n3A_155 = arith.select %eq3A_152, %broadcast_in_dim3A_154, %select_n3A_107 : vector<16xi1>, vector<16xf32>
      %eq3A_156 = arith.cmpf oeq, %select_n3A_111, %max3A_143 : vector<16xf32>
      %jit3A_157 = arith.constant 0xFF800000 : f32
      %broadcast_in_dim3A_158 = vector.broadcast %jit3A_157 : f32 to vector<16xf32>
      %select_n3A_159 = arith.select %eq3A_156, %broadcast_in_dim3A_158, %select_n3A_111 : vector<16xi1>, vector<16xf32>
      %max3A_160 = arith.maximumf %select_n3A_147, %select_n3A_151 : vector<16xf32>
      %max3A_161 = arith.maximumf %select_n3A_155, %select_n3A_159 : vector<16xf32>
      %max3A_162 = arith.maximumf %max3A_160, %max3A_161 : vector<16xf32>
      %iota3A_163 = tpu.iota {dimensions = array<i32: 0>} : vector<16xi32>
      %xor3A_164 = arith.constant 8 : i32
      %xor3A_165 = vector.broadcast %xor3A_164 : i32 to vector<16xi32>
      %xor3A_166 = arith.xori %iota3A_163, %xor3A_165 : vector<16xi32>
      %broadcast_in_dim3A_167 = vector.shape_cast %xor3A_166 : vector<16xi32> to vector<16x1xi32>
      %gather3A_168 = vector.shape_cast %broadcast_in_dim3A_167 : vector<16x1xi32> to vector<16xi32>
      %gather3A_169 = tpu.dynamic_gather %max3A_162[%gather3A_168] in [0] : vector<16xf32>, vector<16xi32> -> vector<16xf32>
      %max3A_170 = arith.maximumf %max3A_162, %gather3A_169 : vector<16xf32>
      %xor3A_171 = arith.constant 4 : i32
      %xor3A_172 = vector.broadcast %xor3A_171 : i32 to vector<16xi32>
      %xor3A_173 = arith.xori %iota3A_163, %xor3A_172 : vector<16xi32>
      %broadcast_in_dim3A_174 = vector.shape_cast %xor3A_173 : vector<16xi32> to vector<16x1xi32>
      %gather3A_175 = vector.shape_cast %broadcast_in_dim3A_174 : vector<16x1xi32> to vector<16xi32>
      %gather3A_176 = tpu.dynamic_gather %max3A_170[%gather3A_175] in [0] : vector<16xf32>, vector<16xi32> -> vector<16xf32>
      %max3A_177 = arith.maximumf %max3A_170, %gather3A_176 : vector<16xf32>
      %xor3A_178 = arith.constant 2 : i32
      %xor3A_179 = vector.broadcast %xor3A_178 : i32 to vector<16xi32>
      %xor3A_180 = arith.xori %iota3A_163, %xor3A_179 : vector<16xi32>
      %broadcast_in_dim3A_181 = vector.shape_cast %xor3A_180 : vector<16xi32> to vector<16x1xi32>
      %gather3A_182 = vector.shape_cast %broadcast_in_dim3A_181 : vector<16x1xi32> to vector<16xi32>
      %gather3A_183 = tpu.dynamic_gather %max3A_177[%gather3A_182] in [0] : vector<16xf32>, vector<16xi32> -> vector<16xf32>
      %max3A_184 = arith.maximumf %max3A_177, %gather3A_183 : vector<16xf32>
      %xor3A_185 = arith.constant 1 : i32
      %xor3A_186 = vector.broadcast %xor3A_185 : i32 to vector<16xi32>
      %xor3A_187 = arith.xori %iota3A_163, %xor3A_186 : vector<16xi32>
      %broadcast_in_dim3A_188 = vector.shape_cast %xor3A_187 : vector<16xi32> to vector<16x1xi32>
      %gather3A_189 = vector.shape_cast %broadcast_in_dim3A_188 : vector<16x1xi32> to vector<16xi32>
      %gather3A_190 = tpu.dynamic_gather %max3A_184[%gather3A_189] in [0] : vector<16xf32>, vector<16xi32> -> vector<16xf32>
      %max3A_191 = arith.maximumf %max3A_184, %gather3A_190 : vector<16xf32>
      %eq3A_192 = arith.cmpf oeq, %select_n3A_147, %max3A_191 : vector<16xf32>
      %jit3A_193 = arith.constant 0xFF800000 : f32
      %broadcast_in_dim3A_194 = vector.broadcast %jit3A_193 : f32 to vector<16xf32>
      %select_n3A_195 = arith.select %eq3A_192, %broadcast_in_dim3A_194, %select_n3A_147 : vector<16xi1>, vector<16xf32>
      %eq3A_196 = arith.cmpf oeq, %select_n3A_151, %max3A_191 : vector<16xf32>
      %jit3A_197 = arith.constant 0xFF800000 : f32
      %broadcast_in_dim3A_198 = vector.broadcast %jit3A_197 : f32 to vector<16xf32>
      %select_n3A_199 = arith.select %eq3A_196, %broadcast_in_dim3A_198, %select_n3A_151 : vector<16xi1>, vector<16xf32>
      %eq3A_200 = arith.cmpf oeq, %select_n3A_155, %max3A_191 : vector<16xf32>
      %jit3A_201 = arith.constant 0xFF800000 : f32
      %broadcast_in_dim3A_202 = vector.broadcast %jit3A_201 : f32 to vector<16xf32>
      %select_n3A_203 = arith.select %eq3A_200, %broadcast_in_dim3A_202, %select_n3A_155 : vector<16xi1>, vector<16xf32>
      %eq3A_204 = arith.cmpf oeq, %select_n3A_159, %max3A_191 : vector<16xf32>
      %jit3A_205 = arith.constant 0xFF800000 : f32
      %broadcast_in_dim3A_206 = vector.broadcast %jit3A_205 : f32 to vector<16xf32>
      %select_n3A_207 = arith.select %eq3A_204, %broadcast_in_dim3A_206, %select_n3A_159 : vector<16xi1>, vector<16xf32>
      %max3A_208 = arith.maximumf %select_n3A_195, %select_n3A_199 : vector<16xf32>
      %max3A_209 = arith.maximumf %select_n3A_203, %select_n3A_207 : vector<16xf32>
      %max3A_210 = arith.maximumf %max3A_208, %max3A_209 : vector<16xf32>
      %iota3A_211 = tpu.iota {dimensions = array<i32: 0>} : vector<16xi32>
      %xor3A_212 = arith.constant 8 : i32
      %xor3A_213 = vector.broadcast %xor3A_212 : i32 to vector<16xi32>
      %xor3A_214 = arith.xori %iota3A_211, %xor3A_213 : vector<16xi32>
      %broadcast_in_dim3A_215 = vector.shape_cast %xor3A_214 : vector<16xi32> to vector<16x1xi32>
      %gather3A_216 = vector.shape_cast %broadcast_in_dim3A_215 : vector<16x1xi32> to vector<16xi32>
      %gather3A_217 = tpu.dynamic_gather %max3A_210[%gather3A_216] in [0] : vector<16xf32>, vector<16xi32> -> vector<16xf32>
      %max3A_218 = arith.maximumf %max3A_210, %gather3A_217 : vector<16xf32>
      %xor3A_219 = arith.constant 4 : i32
      %xor3A_220 = vector.broadcast %xor3A_219 : i32 to vector<16xi32>
      %xor3A_221 = arith.xori %iota3A_211, %xor3A_220 : vector<16xi32>
      %broadcast_in_dim3A_222 = vector.shape_cast %xor3A_221 : vector<16xi32> to vector<16x1xi32>
      %gather3A_223 = vector.shape_cast %broadcast_in_dim3A_222 : vector<16x1xi32> to vector<16xi32>
      %gather3A_224 = tpu.dynamic_gather %max3A_218[%gather3A_223] in [0] : vector<16xf32>, vector<16xi32> -> vector<16xf32>
      %max3A_225 = arith.maximumf %max3A_218, %gather3A_224 : vector<16xf32>
      %xor3A_226 = arith.constant 2 : i32
      %xor3A_227 = vector.broadcast %xor3A_226 : i32 to vector<16xi32>
      %xor3A_228 = arith.xori %iota3A_211, %xor3A_227 : vector<16xi32>
      %broadcast_in_dim3A_229 = vector.shape_cast %xor3A_228 : vector<16xi32> to vector<16x1xi32>
      %gather3A_230 = vector.shape_cast %broadcast_in_dim3A_229 : vector<16x1xi32> to vector<16xi32>
      %gather3A_231 = tpu.dynamic_gather %max3A_225[%gather3A_230] in [0] : vector<16xf32>, vector<16xi32> -> vector<16xf32>
      %max3A_232 = arith.maximumf %max3A_225, %gather3A_231 : vector<16xf32>
      %xor3A_233 = arith.constant 1 : i32
      %xor3A_234 = vector.broadcast %xor3A_233 : i32 to vector<16xi32>
      %xor3A_235 = arith.xori %iota3A_211, %xor3A_234 : vector<16xi32>
      %broadcast_in_dim3A_236 = vector.shape_cast %xor3A_235 : vector<16xi32> to vector<16x1xi32>
      %gather3A_237 = vector.shape_cast %broadcast_in_dim3A_236 : vector<16x1xi32> to vector<16xi32>
      %gather3A_238 = tpu.dynamic_gather %max3A_232[%gather3A_237] in [0] : vector<16xf32>, vector<16xi32> -> vector<16xf32>
      %max3A_239 = arith.maximumf %max3A_232, %gather3A_238 : vector<16xf32>
      %eq3A_240 = arith.cmpf oeq, %select_n3A_195, %max3A_239 : vector<16xf32>
      %jit3A_241 = arith.constant 0xFF800000 : f32
      %broadcast_in_dim3A_242 = vector.broadcast %jit3A_241 : f32 to vector<16xf32>
      %select_n3A_243 = arith.select %eq3A_240, %broadcast_in_dim3A_242, %select_n3A_195 : vector<16xi1>, vector<16xf32>
      %eq3A_244 = arith.cmpf oeq, %select_n3A_199, %max3A_239 : vector<16xf32>
      %jit3A_245 = arith.constant 0xFF800000 : f32
      %broadcast_in_dim3A_246 = vector.broadcast %jit3A_245 : f32 to vector<16xf32>
      %select_n3A_247 = arith.select %eq3A_244, %broadcast_in_dim3A_246, %select_n3A_199 : vector<16xi1>, vector<16xf32>
      %eq3A_248 = arith.cmpf oeq, %select_n3A_203, %max3A_239 : vector<16xf32>
      %jit3A_249 = arith.constant 0xFF800000 : f32
      %broadcast_in_dim3A_250 = vector.broadcast %jit3A_249 : f32 to vector<16xf32>
      %select_n3A_251 = arith.select %eq3A_248, %broadcast_in_dim3A_250, %select_n3A_203 : vector<16xi1>, vector<16xf32>
      %eq3A_252 = arith.cmpf oeq, %select_n3A_207, %max3A_239 : vector<16xf32>
      %jit3A_253 = arith.constant 0xFF800000 : f32
      %broadcast_in_dim3A_254 = vector.broadcast %jit3A_253 : f32 to vector<16xf32>
      %select_n3A_255 = arith.select %eq3A_252, %broadcast_in_dim3A_254, %select_n3A_207 : vector<16xi1>, vector<16xf32>
      %max3A_256 = arith.maximumf %select_n3A_243, %select_n3A_247 : vector<16xf32>
      %max3A_257 = arith.maximumf %select_n3A_251, %select_n3A_255 : vector<16xf32>
      %max3A_258 = arith.maximumf %max3A_256, %max3A_257 : vector<16xf32>
      %iota3A_259 = tpu.iota {dimensions = array<i32: 0>} : vector<16xi32>
      %xor3A_260 = arith.constant 8 : i32
      %xor3A_261 = vector.broadcast %xor3A_260 : i32 to vector<16xi32>
      %xor3A_262 = arith.xori %iota3A_259, %xor3A_261 : vector<16xi32>
      %broadcast_in_dim3A_263 = vector.shape_cast %xor3A_262 : vector<16xi32> to vector<16x1xi32>
      %gather3A_264 = vector.shape_cast %broadcast_in_dim3A_263 : vector<16x1xi32> to vector<16xi32>
      %gather3A_265 = tpu.dynamic_gather %max3A_258[%gather3A_264] in [0] : vector<16xf32>, vector<16xi32> -> vector<16xf32>
      %max3A_266 = arith.maximumf %max3A_258, %gather3A_265 : vector<16xf32>
      %xor3A_267 = arith.constant 4 : i32
      %xor3A_268 = vector.broadcast %xor3A_267 : i32 to vector<16xi32>
      %xor3A_269 = arith.xori %iota3A_259, %xor3A_268 : vector<16xi32>
      %broadcast_in_dim3A_270 = vector.shape_cast %xor3A_269 : vector<16xi32> to vector<16x1xi32>
      %gather3A_271 = vector.shape_cast %broadcast_in_dim3A_270 : vector<16x1xi32> to vector<16xi32>
      %gather3A_272 = tpu.dynamic_gather %max3A_266[%gather3A_271] in [0] : vector<16xf32>, vector<16xi32> -> vector<16xf32>
      %max3A_273 = arith.maximumf %max3A_266, %gather3A_272 : vector<16xf32>
      %xor3A_274 = arith.constant 2 : i32
      %xor3A_275 = vector.broadcast %xor3A_274 : i32 to vector<16xi32>
      %xor3A_276 = arith.xori %iota3A_259, %xor3A_275 : vector<16xi32>
      %broadcast_in_dim3A_277 = vector.shape_cast %xor3A_276 : vector<16xi32> to vector<16x1xi32>
      %gather3A_278 = vector.shape_cast %broadcast_in_dim3A_277 : vector<16x1xi32> to vector<16xi32>
      %gather3A_279 = tpu.dynamic_gather %max3A_273[%gather3A_278] in [0] : vector<16xf32>, vector<16xi32> -> vector<16xf32>
      %max3A_280 = arith.maximumf %max3A_273, %gather3A_279 : vector<16xf32>
      %xor3A_281 = arith.constant 1 : i32
      %xor3A_282 = vector.broadcast %xor3A_281 : i32 to vector<16xi32>
      %xor3A_283 = arith.xori %iota3A_259, %xor3A_282 : vector<16xi32>
      %broadcast_in_dim3A_284 = vector.shape_cast %xor3A_283 : vector<16xi32> to vector<16x1xi32>
      %gather3A_285 = vector.shape_cast %broadcast_in_dim3A_284 : vector<16x1xi32> to vector<16xi32>
      %gather3A_286 = tpu.dynamic_gather %max3A_280[%gather3A_285] in [0] : vector<16xf32>, vector<16xi32> -> vector<16xf32>
      %max3A_287 = arith.maximumf %max3A_280, %gather3A_286 : vector<16xf32>
      %eq3A_288 = arith.cmpf oeq, %select_n3A_243, %max3A_287 : vector<16xf32>
      %jit3A_289 = arith.constant 0xFF800000 : f32
      %broadcast_in_dim3A_290 = vector.broadcast %jit3A_289 : f32 to vector<16xf32>
      %select_n3A_291 = arith.select %eq3A_288, %broadcast_in_dim3A_290, %select_n3A_243 : vector<16xi1>, vector<16xf32>
      %eq3A_292 = arith.cmpf oeq, %select_n3A_247, %max3A_287 : vector<16xf32>
      %jit3A_293 = arith.constant 0xFF800000 : f32
      %broadcast_in_dim3A_294 = vector.broadcast %jit3A_293 : f32 to vector<16xf32>
      %select_n3A_295 = arith.select %eq3A_292, %broadcast_in_dim3A_294, %select_n3A_247 : vector<16xi1>, vector<16xf32>
      %eq3A_296 = arith.cmpf oeq, %select_n3A_251, %max3A_287 : vector<16xf32>
      %jit3A_297 = arith.constant 0xFF800000 : f32
      %broadcast_in_dim3A_298 = vector.broadcast %jit3A_297 : f32 to vector<16xf32>
      %select_n3A_299 = arith.select %eq3A_296, %broadcast_in_dim3A_298, %select_n3A_251 : vector<16xi1>, vector<16xf32>
      %eq3A_300 = arith.cmpf oeq, %select_n3A_255, %max3A_287 : vector<16xf32>
      %jit3A_301 = arith.constant 0xFF800000 : f32
      %broadcast_in_dim3A_302 = vector.broadcast %jit3A_301 : f32 to vector<16xf32>
      %select_n3A_303 = arith.select %eq3A_300, %broadcast_in_dim3A_302, %select_n3A_255 : vector<16xi1>, vector<16xf32>
      %max3A_304 = arith.maximumf %select_n3A_291, %select_n3A_295 : vector<16xf32>
      %max3A_305 = arith.maximumf %select_n3A_299, %select_n3A_303 : vector<16xf32>
      %max3A_306 = arith.maximumf %max3A_304, %max3A_305 : vector<16xf32>
      %iota3A_307 = tpu.iota {dimensions = array<i32: 0>} : vector<16xi32>
      %xor3A_308 = arith.constant 8 : i32
      %xor3A_309 = vector.broadcast %xor3A_308 : i32 to vector<16xi32>
      %xor3A_310 = arith.xori %iota3A_307, %xor3A_309 : vector<16xi32>
      %broadcast_in_dim3A_311 = vector.shape_cast %xor3A_310 : vector<16xi32> to vector<16x1xi32>
      %gather3A_312 = vector.shape_cast %broadcast_in_dim3A_311 : vector<16x1xi32> to vector<16xi32>
      %gather3A_313 = tpu.dynamic_gather %max3A_306[%gather3A_312] in [0] : vector<16xf32>, vector<16xi32> -> vector<16xf32>
      %max3A_314 = arith.maximumf %max3A_306, %gather3A_313 : vector<16xf32>
      %xor3A_315 = arith.constant 4 : i32
      %xor3A_316 = vector.broadcast %xor3A_315 : i32 to vector<16xi32>
      %xor3A_317 = arith.xori %iota3A_307, %xor3A_316 : vector<16xi32>
      %broadcast_in_dim3A_318 = vector.shape_cast %xor3A_317 : vector<16xi32> to vector<16x1xi32>
      %gather3A_319 = vector.shape_cast %broadcast_in_dim3A_318 : vector<16x1xi32> to vector<16xi32>
      %gather3A_320 = tpu.dynamic_gather %max3A_314[%gather3A_319] in [0] : vector<16xf32>, vector<16xi32> -> vector<16xf32>
      %max3A_321 = arith.maximumf %max3A_314, %gather3A_320 : vector<16xf32>
      %xor3A_322 = arith.constant 2 : i32
      %xor3A_323 = vector.broadcast %xor3A_322 : i32 to vector<16xi32>
      %xor3A_324 = arith.xori %iota3A_307, %xor3A_323 : vector<16xi32>
      %broadcast_in_dim3A_325 = vector.shape_cast %xor3A_324 : vector<16xi32> to vector<16x1xi32>
      %gather3A_326 = vector.shape_cast %broadcast_in_dim3A_325 : vector<16x1xi32> to vector<16xi32>
      %gather3A_327 = tpu.dynamic_gather %max3A_321[%gather3A_326] in [0] : vector<16xf32>, vector<16xi32> -> vector<16xf32>
      %max3A_328 = arith.maximumf %max3A_321, %gather3A_327 : vector<16xf32>
      %xor3A_329 = arith.constant 1 : i32
      %xor3A_330 = vector.broadcast %xor3A_329 : i32 to vector<16xi32>
      %xor3A_331 = arith.xori %iota3A_307, %xor3A_330 : vector<16xi32>
      %broadcast_in_dim3A_332 = vector.shape_cast %xor3A_331 : vector<16xi32> to vector<16x1xi32>
      %gather3A_333 = vector.shape_cast %broadcast_in_dim3A_332 : vector<16x1xi32> to vector<16xi32>
      %gather3A_334 = tpu.dynamic_gather %max3A_328[%gather3A_333] in [0] : vector<16xf32>, vector<16xi32> -> vector<16xf32>
      %max3A_335 = arith.maximumf %max3A_328, %gather3A_334 : vector<16xf32>
      %eq3A_336 = arith.cmpf oeq, %select_n3A_291, %max3A_335 : vector<16xf32>
      %jit3A_337 = arith.constant 0xFF800000 : f32
      %broadcast_in_dim3A_338 = vector.broadcast %jit3A_337 : f32 to vector<16xf32>
      %select_n3A_339 = arith.select %eq3A_336, %broadcast_in_dim3A_338, %select_n3A_291 : vector<16xi1>, vector<16xf32>
      %eq3A_340 = arith.cmpf oeq, %select_n3A_295, %max3A_335 : vector<16xf32>
      %jit3A_341 = arith.constant 0xFF800000 : f32
      %broadcast_in_dim3A_342 = vector.broadcast %jit3A_341 : f32 to vector<16xf32>
      %select_n3A_343 = arith.select %eq3A_340, %broadcast_in_dim3A_342, %select_n3A_295 : vector<16xi1>, vector<16xf32>
      %eq3A_344 = arith.cmpf oeq, %select_n3A_299, %max3A_335 : vector<16xf32>
      %jit3A_345 = arith.constant 0xFF800000 : f32
      %broadcast_in_dim3A_346 = vector.broadcast %jit3A_345 : f32 to vector<16xf32>
      %select_n3A_347 = arith.select %eq3A_344, %broadcast_in_dim3A_346, %select_n3A_299 : vector<16xi1>, vector<16xf32>
      %eq3A_348 = arith.cmpf oeq, %select_n3A_303, %max3A_335 : vector<16xf32>
      %jit3A_349 = arith.constant 0xFF800000 : f32
      %broadcast_in_dim3A_350 = vector.broadcast %jit3A_349 : f32 to vector<16xf32>
      %select_n3A_351 = arith.select %eq3A_348, %broadcast_in_dim3A_350, %select_n3A_303 : vector<16xi1>, vector<16xf32>
      %max3A_352 = arith.maximumf %select_n3A_339, %select_n3A_343 : vector<16xf32>
      %max3A_353 = arith.maximumf %select_n3A_347, %select_n3A_351 : vector<16xf32>
      %max3A_354 = arith.maximumf %max3A_352, %max3A_353 : vector<16xf32>
      %iota3A_355 = tpu.iota {dimensions = array<i32: 0>} : vector<16xi32>
      %xor3A_356 = arith.constant 8 : i32
      %xor3A_357 = vector.broadcast %xor3A_356 : i32 to vector<16xi32>
      %xor3A_358 = arith.xori %iota3A_355, %xor3A_357 : vector<16xi32>
      %broadcast_in_dim3A_359 = vector.shape_cast %xor3A_358 : vector<16xi32> to vector<16x1xi32>
      %gather3A_360 = vector.shape_cast %broadcast_in_dim3A_359 : vector<16x1xi32> to vector<16xi32>
      %gather3A_361 = tpu.dynamic_gather %max3A_354[%gather3A_360] in [0] : vector<16xf32>, vector<16xi32> -> vector<16xf32>
      %max3A_362 = arith.maximumf %max3A_354, %gather3A_361 : vector<16xf32>
      %xor3A_363 = arith.constant 4 : i32
      %xor3A_364 = vector.broadcast %xor3A_363 : i32 to vector<16xi32>
      %xor3A_365 = arith.xori %iota3A_355, %xor3A_364 : vector<16xi32>
      %broadcast_in_dim3A_366 = vector.shape_cast %xor3A_365 : vector<16xi32> to vector<16x1xi32>
      %gather3A_367 = vector.shape_cast %broadcast_in_dim3A_366 : vector<16x1xi32> to vector<16xi32>
      %gather3A_368 = tpu.dynamic_gather %max3A_362[%gather3A_367] in [0] : vector<16xf32>, vector<16xi32> -> vector<16xf32>
      %max3A_369 = arith.maximumf %max3A_362, %gather3A_368 : vector<16xf32>
      %xor3A_370 = arith.constant 2 : i32
      %xor3A_371 = vector.broadcast %xor3A_370 : i32 to vector<16xi32>
      %xor3A_372 = arith.xori %iota3A_355, %xor3A_371 : vector<16xi32>
      %broadcast_in_dim3A_373 = vector.shape_cast %xor3A_372 : vector<16xi32> to vector<16x1xi32>
      %gather3A_374 = vector.shape_cast %broadcast_in_dim3A_373 : vector<16x1xi32> to vector<16xi32>
      %gather3A_375 = tpu.dynamic_gather %max3A_369[%gather3A_374] in [0] : vector<16xf32>, vector<16xi32> -> vector<16xf32>
      %max3A_376 = arith.maximumf %max3A_369, %gather3A_375 : vector<16xf32>
      %xor3A_377 = arith.constant 1 : i32
      %xor3A_378 = vector.broadcast %xor3A_377 : i32 to vector<16xi32>
      %xor3A_379 = arith.xori %iota3A_355, %xor3A_378 : vector<16xi32>
      %broadcast_in_dim3A_380 = vector.shape_cast %xor3A_379 : vector<16xi32> to vector<16x1xi32>
      %gather3A_381 = vector.shape_cast %broadcast_in_dim3A_380 : vector<16x1xi32> to vector<16xi32>
      %gather3A_382 = tpu.dynamic_gather %max3A_376[%gather3A_381] in [0] : vector<16xf32>, vector<16xi32> -> vector<16xf32>
      %max3A_383 = arith.maximumf %max3A_376, %gather3A_382 : vector<16xf32>
      %eq3A_384 = arith.cmpf oeq, %select_n3A_339, %max3A_383 : vector<16xf32>
      %jit3A_385 = arith.constant 0xFF800000 : f32
      %broadcast_in_dim3A_386 = vector.broadcast %jit3A_385 : f32 to vector<16xf32>
      %select_n3A_387 = arith.select %eq3A_384, %broadcast_in_dim3A_386, %select_n3A_339 : vector<16xi1>, vector<16xf32>
      %eq3A_388 = arith.cmpf oeq, %select_n3A_343, %max3A_383 : vector<16xf32>
      %jit3A_389 = arith.constant 0xFF800000 : f32
      %broadcast_in_dim3A_390 = vector.broadcast %jit3A_389 : f32 to vector<16xf32>
      %select_n3A_391 = arith.select %eq3A_388, %broadcast_in_dim3A_390, %select_n3A_343 : vector<16xi1>, vector<16xf32>
      %eq3A_392 = arith.cmpf oeq, %select_n3A_347, %max3A_383 : vector<16xf32>
      %jit3A_393 = arith.constant 0xFF800000 : f32
      %broadcast_in_dim3A_394 = vector.broadcast %jit3A_393 : f32 to vector<16xf32>
      %select_n3A_395 = arith.select %eq3A_392, %broadcast_in_dim3A_394, %select_n3A_347 : vector<16xi1>, vector<16xf32>
      %eq3A_396 = arith.cmpf oeq, %select_n3A_351, %max3A_383 : vector<16xf32>
      %jit3A_397 = arith.constant 0xFF800000 : f32
      %broadcast_in_dim3A_398 = vector.broadcast %jit3A_397 : f32 to vector<16xf32>
      %select_n3A_399 = arith.select %eq3A_396, %broadcast_in_dim3A_398, %select_n3A_351 : vector<16xi1>, vector<16xf32>
      %eq3A_400 = arith.constant 0xFF800000 : f32
      %eq3A_401 = vector.broadcast %eq3A_400 : f32 to vector<16xf32>
      %eq3A_402 = arith.cmpf oeq, %select_n3A_387, %eq3A_401 : vector<16xf32>
      %sub3A = arith.subf %get3A_11, %max3A_50 : vector<16xf32>
      %exp3A = math.exp %sub3A : vector<16xf32>
      %jit3A_403 = arith.constant 0.000000e+00 : f32
      %broadcast_in_dim3A_404 = vector.broadcast %jit3A_403 : f32 to vector<16xf32>
      %select_n3A_405 = arith.select %eq3A_402, %exp3A, %broadcast_in_dim3A_404 : vector<16xi1>, vector<16xf32>
      %eq3A_406 = arith.constant 0xFF800000 : f32
      %eq3A_407 = vector.broadcast %eq3A_406 : f32 to vector<16xf32>
      %eq3A_408 = arith.cmpf oeq, %select_n3A_391, %eq3A_407 : vector<16xf32>
      %sub3A_409 = arith.subf %get3A_15, %max3A_50 : vector<16xf32>
      %exp3A_410 = math.exp %sub3A_409 : vector<16xf32>
      %jit3A_411 = arith.constant 0.000000e+00 : f32
      %broadcast_in_dim3A_412 = vector.broadcast %jit3A_411 : f32 to vector<16xf32>
      %select_n3A_413 = arith.select %eq3A_408, %exp3A_410, %broadcast_in_dim3A_412 : vector<16xi1>, vector<16xf32>
      %add3A_414 = arith.addf %select_n3A_405, %select_n3A_413 : vector<16xf32>
      %eq3A_415 = arith.constant 0xFF800000 : f32
      %eq3A_416 = vector.broadcast %eq3A_415 : f32 to vector<16xf32>
      %eq3A_417 = arith.cmpf oeq, %select_n3A_395, %eq3A_416 : vector<16xf32>
      %sub3A_418 = arith.subf %get3A_19, %max3A_50 : vector<16xf32>
      %exp3A_419 = math.exp %sub3A_418 : vector<16xf32>
      %jit3A_420 = arith.constant 0.000000e+00 : f32
      %broadcast_in_dim3A_421 = vector.broadcast %jit3A_420 : f32 to vector<16xf32>
      %select_n3A_422 = arith.select %eq3A_417, %exp3A_419, %broadcast_in_dim3A_421 : vector<16xi1>, vector<16xf32>
      %add3A_423 = arith.addf %add3A_414, %select_n3A_422 : vector<16xf32>
      %eq3A_424 = arith.constant 0xFF800000 : f32
      %eq3A_425 = vector.broadcast %eq3A_424 : f32 to vector<16xf32>
      %eq3A_426 = arith.cmpf oeq, %select_n3A_399, %eq3A_425 : vector<16xf32>
      %sub3A_427 = arith.subf %get3A_23, %max3A_50 : vector<16xf32>
      %exp3A_428 = math.exp %sub3A_427 : vector<16xf32>
      %jit3A_429 = arith.constant 0.000000e+00 : f32
      %broadcast_in_dim3A_430 = vector.broadcast %jit3A_429 : f32 to vector<16xf32>
      %select_n3A_431 = arith.select %eq3A_426, %exp3A_428, %broadcast_in_dim3A_430 : vector<16xi1>, vector<16xf32>
      %add3A_432 = arith.addf %add3A_423, %select_n3A_431 : vector<16xf32>
      %iota3A_433 = tpu.iota {dimensions = array<i32: 0>} : vector<16xi32>
      %xor3A_434 = arith.constant 8 : i32
      %xor3A_435 = vector.broadcast %xor3A_434 : i32 to vector<16xi32>
      %xor3A_436 = arith.xori %iota3A_433, %xor3A_435 : vector<16xi32>
      %broadcast_in_dim3A_437 = vector.shape_cast %xor3A_436 : vector<16xi32> to vector<16x1xi32>
      %gather3A_438 = vector.shape_cast %broadcast_in_dim3A_437 : vector<16x1xi32> to vector<16xi32>
      %gather3A_439 = tpu.dynamic_gather %add3A_432[%gather3A_438] in [0] : vector<16xf32>, vector<16xi32> -> vector<16xf32>
      %add3A_440 = arith.addf %add3A_432, %gather3A_439 : vector<16xf32>
      %xor3A_441 = arith.constant 4 : i32
      %xor3A_442 = vector.broadcast %xor3A_441 : i32 to vector<16xi32>
      %xor3A_443 = arith.xori %iota3A_433, %xor3A_442 : vector<16xi32>
      %broadcast_in_dim3A_444 = vector.shape_cast %xor3A_443 : vector<16xi32> to vector<16x1xi32>
      %gather3A_445 = vector.shape_cast %broadcast_in_dim3A_444 : vector<16x1xi32> to vector<16xi32>
      %gather3A_446 = tpu.dynamic_gather %add3A_440[%gather3A_445] in [0] : vector<16xf32>, vector<16xi32> -> vector<16xf32>
      %add3A_447 = arith.addf %add3A_440, %gather3A_446 : vector<16xf32>
      %xor3A_448 = arith.constant 2 : i32
      %xor3A_449 = vector.broadcast %xor3A_448 : i32 to vector<16xi32>
      %xor3A_450 = arith.xori %iota3A_433, %xor3A_449 : vector<16xi32>
      %broadcast_in_dim3A_451 = vector.shape_cast %xor3A_450 : vector<16xi32> to vector<16x1xi32>
      %gather3A_452 = vector.shape_cast %broadcast_in_dim3A_451 : vector<16x1xi32> to vector<16xi32>
      %gather3A_453 = tpu.dynamic_gather %add3A_447[%gather3A_452] in [0] : vector<16xf32>, vector<16xi32> -> vector<16xf32>
      %add3A_454 = arith.addf %add3A_447, %gather3A_453 : vector<16xf32>
      %xor3A_455 = arith.constant 1 : i32
      %xor3A_456 = vector.broadcast %xor3A_455 : i32 to vector<16xi32>
      %xor3A_457 = arith.xori %iota3A_433, %xor3A_456 : vector<16xi32>
      %broadcast_in_dim3A_458 = vector.shape_cast %xor3A_457 : vector<16xi32> to vector<16x1xi32>
      %gather3A_459 = vector.shape_cast %broadcast_in_dim3A_458 : vector<16x1xi32> to vector<16xi32>
      %gather3A_460 = tpu.dynamic_gather %add3A_454[%gather3A_459] in [0] : vector<16xf32>, vector<16xi32> -> vector<16xf32>
      %add3A_461 = arith.addf %add3A_454, %gather3A_460 : vector<16xf32>
      %div3A = arith.divf %select_n3A_405, %add3A_461 : vector<16xf32>
      %swap3A = arith.index_cast %scan3A_8 : i32 to index
      %swap3A_462 = arith.constant 0 : index
      %swap3A_463 = tpu.vector_load %arg6[%swap3A, %swap3A_462] {strides = array<i32>} : memref<256x64xf32, #tpu.memory_space<vmem>>, vector<1x16xf32>,
      %swap3A_464 = vector.shape_cast %swap3A_463 : vector<1x16xf32> to vector<16xf32>
      %swap3A_465 = vector.shape_cast %div3A : vector<16xf32> to vector<1x16xf32>
      tpu.vector_store %arg6[%swap3A, %swap3A_462], %swap3A_465 {strides = array<i32>} : memref<256x64xf32, #tpu.memory_space<vmem>>, vector<1x16xf32>,
      %div3A_466 = arith.divf %select_n3A_413, %add3A_461 : vector<16xf32>
      %swap3A_467 = arith.index_cast %scan3A_8 : i32 to index
      %swap3A_468 = arith.constant 16 : index
      %swap3A_469 = tpu.vector_load %arg6[%swap3A_467, %swap3A_468] {strides = array<i32>} : memref<256x64xf32, #tpu.memory_space<vmem>>, vector<1x16xf32>,
      %swap3A_470 = vector.shape_cast %swap3A_469 : vector<1x16xf32> to vector<16xf32>
      %swap3A_471 = vector.shape_cast %div3A_466 : vector<16xf32> to vector<1x16xf32>
      tpu.vector_store %arg6[%swap3A_467, %swap3A_468], %swap3A_471 {strides = array<i32>} : memref<256x64xf32, #tpu.memory_space<vmem>>, vector<1x16xf32>,
      %div3A_472 = arith.divf %select_n3A_422, %add3A_461 : vector<16xf32>
      %swap3A_473 = arith.index_cast %scan3A_8 : i32 to index
      %swap3A_474 = arith.constant 32 : index
      %swap3A_475 = tpu.vector_load %arg6[%swap3A_473, %swap3A_474] {strides = array<i32>} : memref<256x64xf32, #tpu.memory_space<vmem>>, vector<1x16xf32>,
      %swap3A_476 = vector.shape_cast %swap3A_475 : vector<1x16xf32> to vector<16xf32>
      %swap3A_477 = vector.shape_cast %div3A_472 : vector<16xf32> to vector<1x16xf32>
      tpu.vector_store %arg6[%swap3A_473, %swap3A_474], %swap3A_477 {strides = array<i32>} : memref<256x64xf32, #tpu.memory_space<vmem>>, vector<1x16xf32>,
      %div3A_478 = arith.divf %select_n3A_431, %add3A_461 : vector<16xf32>
      %swap3A_479 = arith.index_cast %scan3A_8 : i32 to index
      %swap3A_480 = arith.constant 48 : index
      %swap3A_481 = tpu.vector_load %arg6[%swap3A_479, %swap3A_480] {strides = array<i32>} : memref<256x64xf32, #tpu.memory_space<vmem>>, vector<1x16xf32>,
      %swap3A_482 = vector.shape_cast %swap3A_481 : vector<1x16xf32> to vector<16xf32>
      %swap3A_483 = vector.shape_cast %div3A_478 : vector<16xf32> to vector<1x16xf32>
      tpu.vector_store %arg6[%swap3A_479, %swap3A_480], %swap3A_483 {strides = array<i32>} : memref<256x64xf32, #tpu.memory_space<vmem>>, vector<1x16xf32>,
      %iota3A_484 = tpu.iota {dimensions = array<i32: 0>} : vector<16xi32>
      %add3A_485 = arith.constant 0 : i32
      %add3A_486 = vector.broadcast %add3A_485 : i32 to vector<16xi32>
      %add3A_487 = arith.addi %iota3A_484, %add3A_486 : vector<16xi32>
      %broadcast_in_dim3A_488 = arith.constant 0 : i32
      %broadcast_in_dim3A_489 = vector.broadcast %broadcast_in_dim3A_488 : i32 to vector<16xi32>
      %lt3A = arith.cmpf olt, %get3A_11, %max3A_50 : vector<16xf32>
      %jit3A_490 = arith.constant 1 : i32
      %jit3A_491 = arith.constant 0 : i32
      %broadcast_in_dim3A_492 = vector.broadcast %jit3A_490 : i32 to vector<16xi32>
      %broadcast_in_dim3A_493 = vector.broadcast %jit3A_491 : i32 to vector<16xi32>
      %select_n3A_494 = arith.select %lt3A, %broadcast_in_dim3A_492, %broadcast_in_dim3A_493 : vector<16xi1>, vector<16xi32>
      %add3A_495 = arith.addi %broadcast_in_dim3A_489, %select_n3A_494 : vector<16xi32>
      %lt3A_496 = arith.cmpf olt, %get3A_11, %max3A_95 : vector<16xf32>
      %jit3A_497 = arith.constant 1 : i32
      %jit3A_498 = arith.constant 0 : i32
      %broadcast_in_dim3A_499 = vector.broadcast %jit3A_497 : i32 to vector<16xi32>
      %broadcast_in_dim3A_500 = vector.broadcast %jit3A_498 : i32 to vector<16xi32>
      %select_n3A_501 = arith.select %lt3A_496, %broadcast_in_dim3A_499, %broadcast_in_dim3A_500 : vector<16xi1>, vector<16xi32>
      %add3A_502 = arith.addi %add3A_495, %select_n3A_501 : vector<16xi32>
      %lt3A_503 = arith.cmpf olt, %get3A_11, %max3A_143 : vector<16xf32>
      %jit3A_504 = arith.constant 1 : i32
      %jit3A_505 = arith.constant 0 : i32
      %broadcast_in_dim3A_506 = vector.broadcast %jit3A_504 : i32 to vector<16xi32>
      %broadcast_in_dim3A_507 = vector.broadcast %jit3A_505 : i32 to vector<16xi32>
      %select_n3A_508 = arith.select %lt3A_503, %broadcast_in_dim3A_506, %broadcast_in_dim3A_507 : vector<16xi1>, vector<16xi32>
      %add3A_509 = arith.addi %add3A_502, %select_n3A_508 : vector<16xi32>
      %lt3A_510 = arith.cmpf olt, %get3A_11, %max3A_191 : vector<16xf32>
      %jit3A_511 = arith.constant 1 : i32
      %jit3A_512 = arith.constant 0 : i32
      %broadcast_in_dim3A_513 = vector.broadcast %jit3A_511 : i32 to vector<16xi32>
      %broadcast_in_dim3A_514 = vector.broadcast %jit3A_512 : i32 to vector<16xi32>
      %select_n3A_515 = arith.select %lt3A_510, %broadcast_in_dim3A_513, %broadcast_in_dim3A_514 : vector<16xi1>, vector<16xi32>
      %add3A_516 = arith.addi %add3A_509, %select_n3A_515 : vector<16xi32>
      %lt3A_517 = arith.cmpf olt, %get3A_11, %max3A_239 : vector<16xf32>
      %jit3A_518 = arith.constant 1 : i32
      %jit3A_519 = arith.constant 0 : i32
      %broadcast_in_dim3A_520 = vector.broadcast %jit3A_518 : i32 to vector<16xi32>
      %broadcast_in_dim3A_521 = vector.broadcast %jit3A_519 : i32 to vector<16xi32>
      %select_n3A_522 = arith.select %lt3A_517, %broadcast_in_dim3A_520, %broadcast_in_dim3A_521 : vector<16xi1>, vector<16xi32>
      %add3A_523 = arith.addi %add3A_516, %select_n3A_522 : vector<16xi32>
      %lt3A_524 = arith.cmpf olt, %get3A_11, %max3A_287 : vector<16xf32>
      %jit3A_525 = arith.constant 1 : i32
      %jit3A_526 = arith.constant 0 : i32
      %broadcast_in_dim3A_527 = vector.broadcast %jit3A_525 : i32 to vector<16xi32>
      %broadcast_in_dim3A_528 = vector.broadcast %jit3A_526 : i32 to vector<16xi32>
      %select_n3A_529 = arith.select %lt3A_524, %broadcast_in_dim3A_527, %broadcast_in_dim3A_528 : vector<16xi1>, vector<16xi32>
      %add3A_530 = arith.addi %add3A_523, %select_n3A_529 : vector<16xi32>
      %lt3A_531 = arith.cmpf olt, %get3A_11, %max3A_335 : vector<16xf32>
      %jit3A_532 = arith.constant 1 : i32
      %jit3A_533 = arith.constant 0 : i32
      %broadcast_in_dim3A_534 = vector.broadcast %jit3A_532 : i32 to vector<16xi32>
      %broadcast_in_dim3A_535 = vector.broadcast %jit3A_533 : i32 to vector<16xi32>
      %select_n3A_536 = arith.select %lt3A_531, %broadcast_in_dim3A_534, %broadcast_in_dim3A_535 : vector<16xi1>, vector<16xi32>
      %add3A_537 = arith.addi %add3A_530, %select_n3A_536 : vector<16xi32>
      %eq3A_538 = arith.constant 0xFF800000 : f32
      %eq3A_539 = vector.broadcast %eq3A_538 : f32 to vector<16xf32>
      %eq3A_540 = arith.cmpf oeq, %select_n3A_387, %eq3A_539 : vector<16xf32>
      %ge3A = arith.constant 4 : i32
      %ge3A_541 = vector.broadcast %ge3A : i32 to vector<16xi32>
      %ge3A_542 = arith.cmpi sge, %add3A_537, %ge3A_541 : vector<16xi32>
      %sub3A_543 = arith.constant 4 : i32
      %sub3A_544 = vector.broadcast %sub3A_543 : i32 to vector<16xi32>
      %sub3A_545 = arith.subi %add3A_537, %sub3A_544 : vector<16xi32>
      %select_n3A_546 = arith.select %ge3A_542, %sub3A_545, %add3A_537 : vector<16xi1>, vector<16xi32>
      %sub3A_547 = arith.constant 3 : i32
      %sub3A_548 = vector.broadcast %sub3A_547 : i32 to vector<16xi32>
      %sub3A_549 = arith.subi %sub3A_548, %select_n3A_546 : vector<16xi32>
      %mul3A_550 = arith.constant 6 : i32
      %mul3A_551 = vector.broadcast %mul3A_550 : i32 to vector<16xi32>
      %mul3A_552 = arith.muli %mul3A_551, %sub3A_549 : vector<16xi32>
      %shift_left3A = arith.shli %add3A_487, %mul3A_552 : vector<16xi32>
      %jit3A_553 = arith.constant 0 : i32
      %broadcast_in_dim3A_554 = vector.broadcast %jit3A_553 : i32 to vector<16xi32>
      %select_n3A_555 = arith.select %eq3A_540, %shift_left3A, %broadcast_in_dim3A_554 : vector<16xi1>, vector<16xi32>
      %lt3A_556 = arith.constant 4 : i32
      %lt3A_557 = vector.broadcast %lt3A_556 : i32 to vector<16xi32>
      %lt3A_558 = arith.cmpi slt, %add3A_537, %lt3A_557 : vector<16xi32>
      %jit3A_559 = arith.constant 0 : i32
      %broadcast_in_dim3A_560 = vector.broadcast %jit3A_559 : i32 to vector<16xi32>
      %select_n3A_561 = arith.select %lt3A_558, %select_n3A_555, %broadcast_in_dim3A_560 : vector<16xi1>, vector<16xi32>
      %sub3A_562 = arith.subi %select_n3A_555, %select_n3A_561 : vector<16xi32>
      %iota3A_563 = tpu.iota {dimensions = array<i32: 0>} : vector<16xi32>
      %add3A_564 = arith.constant 16 : i32
      %add3A_565 = vector.broadcast %add3A_564 : i32 to vector<16xi32>
      %add3A_566 = arith.addi %iota3A_563, %add3A_565 : vector<16xi32>
      %broadcast_in_dim3A_567 = arith.constant 0 : i32
      %broadcast_in_dim3A_568 = vector.broadcast %broadcast_in_dim3A_567 : i32 to vector<16xi32>
      %lt3A_569 = arith.cmpf olt, %get3A_15, %max3A_50 : vector<16xf32>
      %jit3A_570 = arith.constant 1 : i32
      %jit3A_571 = arith.constant 0 : i32
      %broadcast_in_dim3A_572 = vector.broadcast %jit3A_570 : i32 to vector<16xi32>
      %broadcast_in_dim3A_573 = vector.broadcast %jit3A_571 : i32 to vector<16xi32>
      %select_n3A_574 = arith.select %lt3A_569, %broadcast_in_dim3A_572, %broadcast_in_dim3A_573 : vector<16xi1>, vector<16xi32>
      %add3A_575 = arith.addi %broadcast_in_dim3A_568, %select_n3A_574 : vector<16xi32>
      %lt3A_576 = arith.cmpf olt, %get3A_15, %max3A_95 : vector<16xf32>
      %jit3A_577 = arith.constant 1 : i32
      %jit3A_578 = arith.constant 0 : i32
      %broadcast_in_dim3A_579 = vector.broadcast %jit3A_577 : i32 to vector<16xi32>
      %broadcast_in_dim3A_580 = vector.broadcast %jit3A_578 : i32 to vector<16xi32>
      %select_n3A_581 = arith.select %lt3A_576, %broadcast_in_dim3A_579, %broadcast_in_dim3A_580 : vector<16xi1>, vector<16xi32>
      %add3A_582 = arith.addi %add3A_575, %select_n3A_581 : vector<16xi32>
      %lt3A_583 = arith.cmpf olt, %get3A_15, %max3A_143 : vector<16xf32>
      %jit3A_584 = arith.constant 1 : i32
      %jit3A_585 = arith.constant 0 : i32
      %broadcast_in_dim3A_586 = vector.broadcast %jit3A_584 : i32 to vector<16xi32>
      %broadcast_in_dim3A_587 = vector.broadcast %jit3A_585 : i32 to vector<16xi32>
      %select_n3A_588 = arith.select %lt3A_583, %broadcast_in_dim3A_586, %broadcast_in_dim3A_587 : vector<16xi1>, vector<16xi32>
      %add3A_589 = arith.addi %add3A_582, %select_n3A_588 : vector<16xi32>
      %lt3A_590 = arith.cmpf olt, %get3A_15, %max3A_191 : vector<16xf32>
      %jit3A_591 = arith.constant 1 : i32
      %jit3A_592 = arith.constant 0 : i32
      %broadcast_in_dim3A_593 = vector.broadcast %jit3A_591 : i32 to vector<16xi32>
      %broadcast_in_dim3A_594 = vector.broadcast %jit3A_592 : i32 to vector<16xi32>
      %select_n3A_595 = arith.select %lt3A_590, %broadcast_in_dim3A_593, %broadcast_in_dim3A_594 : vector<16xi1>, vector<16xi32>
      %add3A_596 = arith.addi %add3A_589, %select_n3A_595 : vector<16xi32>
      %lt3A_597 = arith.cmpf olt, %get3A_15, %max3A_239 : vector<16xf32>
      %jit3A_598 = arith.constant 1 : i32
      %jit3A_599 = arith.constant 0 : i32
      %broadcast_in_dim3A_600 = vector.broadcast %jit3A_598 : i32 to vector<16xi32>
      %broadcast_in_dim3A_601 = vector.broadcast %jit3A_599 : i32 to vector<16xi32>
      %select_n3A_602 = arith.select %lt3A_597, %broadcast_in_dim3A_600, %broadcast_in_dim3A_601 : vector<16xi1>, vector<16xi32>
      %add3A_603 = arith.addi %add3A_596, %select_n3A_602 : vector<16xi32>
      %lt3A_604 = arith.cmpf olt, %get3A_15, %max3A_287 : vector<16xf32>
      %jit3A_605 = arith.constant 1 : i32
      %jit3A_606 = arith.constant 0 : i32
      %broadcast_in_dim3A_607 = vector.broadcast %jit3A_605 : i32 to vector<16xi32>
      %broadcast_in_dim3A_608 = vector.broadcast %jit3A_606 : i32 to vector<16xi32>
      %select_n3A_609 = arith.select %lt3A_604, %broadcast_in_dim3A_607, %broadcast_in_dim3A_608 : vector<16xi1>, vector<16xi32>
      %add3A_610 = arith.addi %add3A_603, %select_n3A_609 : vector<16xi32>
      %lt3A_611 = arith.cmpf olt, %get3A_15, %max3A_335 : vector<16xf32>
      %jit3A_612 = arith.constant 1 : i32
      %jit3A_613 = arith.constant 0 : i32
      %broadcast_in_dim3A_614 = vector.broadcast %jit3A_612 : i32 to vector<16xi32>
      %broadcast_in_dim3A_615 = vector.broadcast %jit3A_613 : i32 to vector<16xi32>
      %select_n3A_616 = arith.select %lt3A_611, %broadcast_in_dim3A_614, %broadcast_in_dim3A_615 : vector<16xi1>, vector<16xi32>
      %add3A_617 = arith.addi %add3A_610, %select_n3A_616 : vector<16xi32>
      %eq3A_618 = arith.constant 0xFF800000 : f32
      %eq3A_619 = vector.broadcast %eq3A_618 : f32 to vector<16xf32>
      %eq3A_620 = arith.cmpf oeq, %select_n3A_391, %eq3A_619 : vector<16xf32>
      %ge3A_621 = arith.constant 4 : i32
      %ge3A_622 = vector.broadcast %ge3A_621 : i32 to vector<16xi32>
      %ge3A_623 = arith.cmpi sge, %add3A_617, %ge3A_622 : vector<16xi32>
      %sub3A_624 = arith.constant 4 : i32
      %sub3A_625 = vector.broadcast %sub3A_624 : i32 to vector<16xi32>
      %sub3A_626 = arith.subi %add3A_617, %sub3A_625 : vector<16xi32>
      %select_n3A_627 = arith.select %ge3A_623, %sub3A_626, %add3A_617 : vector<16xi1>, vector<16xi32>
      %sub3A_628 = arith.constant 3 : i32
      %sub3A_629 = vector.broadcast %sub3A_628 : i32 to vector<16xi32>
      %sub3A_630 = arith.subi %sub3A_629, %select_n3A_627 : vector<16xi32>
      %mul3A_631 = arith.constant 6 : i32
      %mul3A_632 = vector.broadcast %mul3A_631 : i32 to vector<16xi32>
      %mul3A_633 = arith.muli %mul3A_632, %sub3A_630 : vector<16xi32>
      %shift_left3A_634 = arith.shli %add3A_566, %mul3A_633 : vector<16xi32>
      %jit3A_635 = arith.constant 0 : i32
      %broadcast_in_dim3A_636 = vector.broadcast %jit3A_635 : i32 to vector<16xi32>
      %select_n3A_637 = arith.select %eq3A_620, %shift_left3A_634, %broadcast_in_dim3A_636 : vector<16xi1>, vector<16xi32>
      %lt3A_638 = arith.constant 4 : i32
      %lt3A_639 = vector.broadcast %lt3A_638 : i32 to vector<16xi32>
      %lt3A_640 = arith.cmpi slt, %add3A_617, %lt3A_639 : vector<16xi32>
      %jit3A_641 = arith.constant 0 : i32
      %broadcast_in_dim3A_642 = vector.broadcast %jit3A_641 : i32 to vector<16xi32>
      %select_n3A_643 = arith.select %lt3A_640, %select_n3A_637, %broadcast_in_dim3A_642 : vector<16xi1>, vector<16xi32>
      %sub3A_644 = arith.subi %select_n3A_637, %select_n3A_643 : vector<16xi32>
      %add3A_645 = arith.addi %select_n3A_561, %select_n3A_643 : vector<16xi32>
      %add3A_646 = arith.addi %sub3A_562, %sub3A_644 : vector<16xi32>
      %iota3A_647 = tpu.iota {dimensions = array<i32: 0>} : vector<16xi32>
      %add3A_648 = arith.constant 32 : i32
      %add3A_649 = vector.broadcast %add3A_648 : i32 to vector<16xi32>
      %add3A_650 = arith.addi %iota3A_647, %add3A_649 : vector<16xi32>
      %broadcast_in_dim3A_651 = arith.constant 0 : i32
      %broadcast_in_dim3A_652 = vector.broadcast %broadcast_in_dim3A_651 : i32 to vector<16xi32>
      %lt3A_653 = arith.cmpf olt, %get3A_19, %max3A_50 : vector<16xf32>
      %jit3A_654 = arith.constant 1 : i32
      %jit3A_655 = arith.constant 0 : i32
      %broadcast_in_dim3A_656 = vector.broadcast %jit3A_654 : i32 to vector<16xi32>
      %broadcast_in_dim3A_657 = vector.broadcast %jit3A_655 : i32 to vector<16xi32>
      %select_n3A_658 = arith.select %lt3A_653, %broadcast_in_dim3A_656, %broadcast_in_dim3A_657 : vector<16xi1>, vector<16xi32>
      %add3A_659 = arith.addi %broadcast_in_dim3A_652, %select_n3A_658 : vector<16xi32>
      %lt3A_660 = arith.cmpf olt, %get3A_19, %max3A_95 : vector<16xf32>
      %jit3A_661 = arith.constant 1 : i32
      %jit3A_662 = arith.constant 0 : i32
      %broadcast_in_dim3A_663 = vector.broadcast %jit3A_661 : i32 to vector<16xi32>
      %broadcast_in_dim3A_664 = vector.broadcast %jit3A_662 : i32 to vector<16xi32>
      %select_n3A_665 = arith.select %lt3A_660, %broadcast_in_dim3A_663, %broadcast_in_dim3A_664 : vector<16xi1>, vector<16xi32>
      %add3A_666 = arith.addi %add3A_659, %select_n3A_665 : vector<16xi32>
      %lt3A_667 = arith.cmpf olt, %get3A_19, %max3A_143 : vector<16xf32>
      %jit3A_668 = arith.constant 1 : i32
      %jit3A_669 = arith.constant 0 : i32
      %broadcast_in_dim3A_670 = vector.broadcast %jit3A_668 : i32 to vector<16xi32>
      %broadcast_in_dim3A_671 = vector.broadcast %jit3A_669 : i32 to vector<16xi32>
      %select_n3A_672 = arith.select %lt3A_667, %broadcast_in_dim3A_670, %broadcast_in_dim3A_671 : vector<16xi1>, vector<16xi32>
      %add3A_673 = arith.addi %add3A_666, %select_n3A_672 : vector<16xi32>
      %lt3A_674 = arith.cmpf olt, %get3A_19, %max3A_191 : vector<16xf32>
      %jit3A_675 = arith.constant 1 : i32
      %jit3A_676 = arith.constant 0 : i32
      %broadcast_in_dim3A_677 = vector.broadcast %jit3A_675 : i32 to vector<16xi32>
      %broadcast_in_dim3A_678 = vector.broadcast %jit3A_676 : i32 to vector<16xi32>
      %select_n3A_679 = arith.select %lt3A_674, %broadcast_in_dim3A_677, %broadcast_in_dim3A_678 : vector<16xi1>, vector<16xi32>
      %add3A_680 = arith.addi %add3A_673, %select_n3A_679 : vector<16xi32>
      %lt3A_681 = arith.cmpf olt, %get3A_19, %max3A_239 : vector<16xf32>
      %jit3A_682 = arith.constant 1 : i32
      %jit3A_683 = arith.constant 0 : i32
      %broadcast_in_dim3A_684 = vector.broadcast %jit3A_682 : i32 to vector<16xi32>
      %broadcast_in_dim3A_685 = vector.broadcast %jit3A_683 : i32 to vector<16xi32>
      %select_n3A_686 = arith.select %lt3A_681, %broadcast_in_dim3A_684, %broadcast_in_dim3A_685 : vector<16xi1>, vector<16xi32>
      %add3A_687 = arith.addi %add3A_680, %select_n3A_686 : vector<16xi32>
      %lt3A_688 = arith.cmpf olt, %get3A_19, %max3A_287 : vector<16xf32>
      %jit3A_689 = arith.constant 1 : i32
      %jit3A_690 = arith.constant 0 : i32
      %broadcast_in_dim3A_691 = vector.broadcast %jit3A_689 : i32 to vector<16xi32>
      %broadcast_in_dim3A_692 = vector.broadcast %jit3A_690 : i32 to vector<16xi32>
      %select_n3A_693 = arith.select %lt3A_688, %broadcast_in_dim3A_691, %broadcast_in_dim3A_692 : vector<16xi1>, vector<16xi32>
      %add3A_694 = arith.addi %add3A_687, %select_n3A_693 : vector<16xi32>
      %lt3A_695 = arith.cmpf olt, %get3A_19, %max3A_335 : vector<16xf32>
      %jit3A_696 = arith.constant 1 : i32
      %jit3A_697 = arith.constant 0 : i32
      %broadcast_in_dim3A_698 = vector.broadcast %jit3A_696 : i32 to vector<16xi32>
      %broadcast_in_dim3A_699 = vector.broadcast %jit3A_697 : i32 to vector<16xi32>
      %select_n3A_700 = arith.select %lt3A_695, %broadcast_in_dim3A_698, %broadcast_in_dim3A_699 : vector<16xi1>, vector<16xi32>
      %add3A_701 = arith.addi %add3A_694, %select_n3A_700 : vector<16xi32>
      %eq3A_702 = arith.constant 0xFF800000 : f32
      %eq3A_703 = vector.broadcast %eq3A_702 : f32 to vector<16xf32>
      %eq3A_704 = arith.cmpf oeq, %select_n3A_395, %eq3A_703 : vector<16xf32>
      %ge3A_705 = arith.constant 4 : i32
      %ge3A_706 = vector.broadcast %ge3A_705 : i32 to vector<16xi32>
      %ge3A_707 = arith.cmpi sge, %add3A_701, %ge3A_706 : vector<16xi32>
      %sub3A_708 = arith.constant 4 : i32
      %sub3A_709 = vector.broadcast %sub3A_708 : i32 to vector<16xi32>
      %sub3A_710 = arith.subi %add3A_701, %sub3A_709 : vector<16xi32>
      %select_n3A_711 = arith.select %ge3A_707, %sub3A_710, %add3A_701 : vector<16xi1>, vector<16xi32>
      %sub3A_712 = arith.constant 3 : i32
      %sub3A_713 = vector.broadcast %sub3A_712 : i32 to vector<16xi32>
      %sub3A_714 = arith.subi %sub3A_713, %select_n3A_711 : vector<16xi32>
      %mul3A_715 = arith.constant 6 : i32
      %mul3A_716 = vector.broadcast %mul3A_715 : i32 to vector<16xi32>
      %mul3A_717 = arith.muli %mul3A_716, %sub3A_714 : vector<16xi32>
      %shift_left3A_718 = arith.shli %add3A_650, %mul3A_717 : vector<16xi32>
      %jit3A_719 = arith.constant 0 : i32
      %broadcast_in_dim3A_720 = vector.broadcast %jit3A_719 : i32 to vector<16xi32>
      %select_n3A_721 = arith.select %eq3A_704, %shift_left3A_718, %broadcast_in_dim3A_720 : vector<16xi1>, vector<16xi32>
      %lt3A_722 = arith.constant 4 : i32
      %lt3A_723 = vector.broadcast %lt3A_722 : i32 to vector<16xi32>
      %lt3A_724 = arith.cmpi slt, %add3A_701, %lt3A_723 : vector<16xi32>
      %jit3A_725 = arith.constant 0 : i32
      %broadcast_in_dim3A_726 = vector.broadcast %jit3A_725 : i32 to vector<16xi32>
      %select_n3A_727 = arith.select %lt3A_724, %select_n3A_721, %broadcast_in_dim3A_726 : vector<16xi1>, vector<16xi32>
      %sub3A_728 = arith.subi %select_n3A_721, %select_n3A_727 : vector<16xi32>
      %add3A_729 = arith.addi %add3A_645, %select_n3A_727 : vector<16xi32>
      %add3A_730 = arith.addi %add3A_646, %sub3A_728 : vector<16xi32>
      %iota3A_731 = tpu.iota {dimensions = array<i32: 0>} : vector<16xi32>
      %add3A_732 = arith.constant 48 : i32
      %add3A_733 = vector.broadcast %add3A_732 : i32 to vector<16xi32>
      %add3A_734 = arith.addi %iota3A_731, %add3A_733 : vector<16xi32>
      %broadcast_in_dim3A_735 = arith.constant 0 : i32
      %broadcast_in_dim3A_736 = vector.broadcast %broadcast_in_dim3A_735 : i32 to vector<16xi32>
      %lt3A_737 = arith.cmpf olt, %get3A_23, %max3A_50 : vector<16xf32>
      %jit3A_738 = arith.constant 1 : i32
      %jit3A_739 = arith.constant 0 : i32
      %broadcast_in_dim3A_740 = vector.broadcast %jit3A_738 : i32 to vector<16xi32>
      %broadcast_in_dim3A_741 = vector.broadcast %jit3A_739 : i32 to vector<16xi32>
      %select_n3A_742 = arith.select %lt3A_737, %broadcast_in_dim3A_740, %broadcast_in_dim3A_741 : vector<16xi1>, vector<16xi32>
      %add3A_743 = arith.addi %broadcast_in_dim3A_736, %select_n3A_742 : vector<16xi32>
      %lt3A_744 = arith.cmpf olt, %get3A_23, %max3A_95 : vector<16xf32>
      %jit3A_745 = arith.constant 1 : i32
      %jit3A_746 = arith.constant 0 : i32
      %broadcast_in_dim3A_747 = vector.broadcast %jit3A_745 : i32 to vector<16xi32>
      %broadcast_in_dim3A_748 = vector.broadcast %jit3A_746 : i32 to vector<16xi32>
      %select_n3A_749 = arith.select %lt3A_744, %broadcast_in_dim3A_747, %broadcast_in_dim3A_748 : vector<16xi1>, vector<16xi32>
      %add3A_750 = arith.addi %add3A_743, %select_n3A_749 : vector<16xi32>
      %lt3A_751 = arith.cmpf olt, %get3A_23, %max3A_143 : vector<16xf32>
      %jit3A_752 = arith.constant 1 : i32
      %jit3A_753 = arith.constant 0 : i32
      %broadcast_in_dim3A_754 = vector.broadcast %jit3A_752 : i32 to vector<16xi32>
      %broadcast_in_dim3A_755 = vector.broadcast %jit3A_753 : i32 to vector<16xi32>
      %select_n3A_756 = arith.select %lt3A_751, %broadcast_in_dim3A_754, %broadcast_in_dim3A_755 : vector<16xi1>, vector<16xi32>
      %add3A_757 = arith.addi %add3A_750, %select_n3A_756 : vector<16xi32>
      %lt3A_758 = arith.cmpf olt, %get3A_23, %max3A_191 : vector<16xf32>
      %jit3A_759 = arith.constant 1 : i32
      %jit3A_760 = arith.constant 0 : i32
      %broadcast_in_dim3A_761 = vector.broadcast %jit3A_759 : i32 to vector<16xi32>
      %broadcast_in_dim3A_762 = vector.broadcast %jit3A_760 : i32 to vector<16xi32>
      %select_n3A_763 = arith.select %lt3A_758, %broadcast_in_dim3A_761, %broadcast_in_dim3A_762 : vector<16xi1>, vector<16xi32>
      %add3A_764 = arith.addi %add3A_757, %select_n3A_763 : vector<16xi32>
      %lt3A_765 = arith.cmpf olt, %get3A_23, %max3A_239 : vector<16xf32>
      %jit3A_766 = arith.constant 1 : i32
      %jit3A_767 = arith.constant 0 : i32
      %broadcast_in_dim3A_768 = vector.broadcast %jit3A_766 : i32 to vector<16xi32>
      %broadcast_in_dim3A_769 = vector.broadcast %jit3A_767 : i32 to vector<16xi32>
      %select_n3A_770 = arith.select %lt3A_765, %broadcast_in_dim3A_768, %broadcast_in_dim3A_769 : vector<16xi1>, vector<16xi32>
      %add3A_771 = arith.addi %add3A_764, %select_n3A_770 : vector<16xi32>
      %lt3A_772 = arith.cmpf olt, %get3A_23, %max3A_287 : vector<16xf32>
      %jit3A_773 = arith.constant 1 : i32
      %jit3A_774 = arith.constant 0 : i32
      %broadcast_in_dim3A_775 = vector.broadcast %jit3A_773 : i32 to vector<16xi32>
      %broadcast_in_dim3A_776 = vector.broadcast %jit3A_774 : i32 to vector<16xi32>
      %select_n3A_777 = arith.select %lt3A_772, %broadcast_in_dim3A_775, %broadcast_in_dim3A_776 : vector<16xi1>, vector<16xi32>
      %add3A_778 = arith.addi %add3A_771, %select_n3A_777 : vector<16xi32>
      %lt3A_779 = arith.cmpf olt, %get3A_23, %max3A_335 : vector<16xf32>
      %jit3A_780 = arith.constant 1 : i32
      %jit3A_781 = arith.constant 0 : i32
      %broadcast_in_dim3A_782 = vector.broadcast %jit3A_780 : i32 to vector<16xi32>
      %broadcast_in_dim3A_783 = vector.broadcast %jit3A_781 : i32 to vector<16xi32>
      %select_n3A_784 = arith.select %lt3A_779, %broadcast_in_dim3A_782, %broadcast_in_dim3A_783 : vector<16xi1>, vector<16xi32>
      %add3A_785 = arith.addi %add3A_778, %select_n3A_784 : vector<16xi32>
      %eq3A_786 = arith.constant 0xFF800000 : f32
      %eq3A_787 = vector.broadcast %eq3A_786 : f32 to vector<16xf32>
      %eq3A_788 = arith.cmpf oeq, %select_n3A_399, %eq3A_787 : vector<16xf32>
      %ge3A_789 = arith.constant 4 : i32
      %ge3A_790 = vector.broadcast %ge3A_789 : i32 to vector<16xi32>
      %ge3A_791 = arith.cmpi sge, %add3A_785, %ge3A_790 : vector<16xi32>
      %sub3A_792 = arith.constant 4 : i32
      %sub3A_793 = vector.broadcast %sub3A_792 : i32 to vector<16xi32>
      %sub3A_794 = arith.subi %add3A_785, %sub3A_793 : vector<16xi32>
      %select_n3A_795 = arith.select %ge3A_791, %sub3A_794, %add3A_785 : vector<16xi1>, vector<16xi32>
      %sub3A_796 = arith.constant 3 : i32
      %sub3A_797 = vector.broadcast %sub3A_796 : i32 to vector<16xi32>
      %sub3A_798 = arith.subi %sub3A_797, %select_n3A_795 : vector<16xi32>
      %mul3A_799 = arith.constant 6 : i32
      %mul3A_800 = vector.broadcast %mul3A_799 : i32 to vector<16xi32>
      %mul3A_801 = arith.muli %mul3A_800, %sub3A_798 : vector<16xi32>
      %shift_left3A_802 = arith.shli %add3A_734, %mul3A_801 : vector<16xi32>
      %jit3A_803 = arith.constant 0 : i32
      %broadcast_in_dim3A_804 = vector.broadcast %jit3A_803 : i32 to vector<16xi32>
      %select_n3A_805 = arith.select %eq3A_788, %shift_left3A_802, %broadcast_in_dim3A_804 : vector<16xi1>, vector<16xi32>
      %lt3A_806 = arith.constant 4 : i32
      %lt3A_807 = vector.broadcast %lt3A_806 : i32 to vector<16xi32>
      %lt3A_808 = arith.cmpi slt, %add3A_785, %lt3A_807 : vector<16xi32>
      %jit3A_809 = arith.constant 0 : i32
      %broadcast_in_dim3A_810 = vector.broadcast %jit3A_809 : i32 to vector<16xi32>
      %select_n3A_811 = arith.select %lt3A_808, %select_n3A_805, %broadcast_in_dim3A_810 : vector<16xi1>, vector<16xi32>
      %sub3A_812 = arith.subi %select_n3A_805, %select_n3A_811 : vector<16xi32>
      %add3A_813 = arith.addi %add3A_729, %select_n3A_811 : vector<16xi32>
      %add3A_814 = arith.addi %add3A_730, %sub3A_812 : vector<16xi32>
      %iota3A_815 = tpu.iota {dimensions = array<i32: 0>} : vector<16xi32>
      %xor3A_816 = arith.constant 8 : i32
      %xor3A_817 = vector.broadcast %xor3A_816 : i32 to vector<16xi32>
      %xor3A_818 = arith.xori %iota3A_815, %xor3A_817 : vector<16xi32>
      %broadcast_in_dim3A_819 = vector.shape_cast %xor3A_818 : vector<16xi32> to vector<16x1xi32>
      %gather3A_820 = vector.shape_cast %broadcast_in_dim3A_819 : vector<16x1xi32> to vector<16xi32>
      %gather3A_821 = tpu.dynamic_gather %add3A_813[%gather3A_820] in [0] : vector<16xi32>, vector<16xi32> -> vector<16xi32>
      %add3A_822 = arith.addi %add3A_813, %gather3A_821 : vector<16xi32>
      %xor3A_823 = arith.constant 4 : i32
      %xor3A_824 = vector.broadcast %xor3A_823 : i32 to vector<16xi32>
      %xor3A_825 = arith.xori %iota3A_815, %xor3A_824 : vector<16xi32>
      %broadcast_in_dim3A_826 = vector.shape_cast %xor3A_825 : vector<16xi32> to vector<16x1xi32>
      %gather3A_827 = vector.shape_cast %broadcast_in_dim3A_826 : vector<16x1xi32> to vector<16xi32>
      %gather3A_828 = tpu.dynamic_gather %add3A_822[%gather3A_827] in [0] : vector<16xi32>, vector<16xi32> -> vector<16xi32>
      %add3A_829 = arith.addi %add3A_822, %gather3A_828 : vector<16xi32>
      %xor3A_830 = arith.constant 2 : i32
      %xor3A_831 = vector.broadcast %xor3A_830 : i32 to vector<16xi32>
      %xor3A_832 = arith.xori %iota3A_815, %xor3A_831 : vector<16xi32>
      %broadcast_in_dim3A_833 = vector.shape_cast %xor3A_832 : vector<16xi32> to vector<16x1xi32>
      %gather3A_834 = vector.shape_cast %broadcast_in_dim3A_833 : vector<16x1xi32> to vector<16xi32>
      %gather3A_835 = tpu.dynamic_gather %add3A_829[%gather3A_834] in [0] : vector<16xi32>, vector<16xi32> -> vector<16xi32>
      %add3A_836 = arith.addi %add3A_829, %gather3A_835 : vector<16xi32>
      %xor3A_837 = arith.constant 1 : i32
      %xor3A_838 = vector.broadcast %xor3A_837 : i32 to vector<16xi32>
      %xor3A_839 = arith.xori %iota3A_815, %xor3A_838 : vector<16xi32>
      %broadcast_in_dim3A_840 = vector.shape_cast %xor3A_839 : vector<16xi32> to vector<16x1xi32>
      %gather3A_841 = vector.shape_cast %broadcast_in_dim3A_840 : vector<16x1xi32> to vector<16xi32>
      %gather3A_842 = tpu.dynamic_gather %add3A_836[%gather3A_841] in [0] : vector<16xi32>, vector<16xi32> -> vector<16xi32>
      %add3A_843 = arith.addi %add3A_836, %gather3A_842 : vector<16xi32>
      %iota3A_844 = tpu.iota {dimensions = array<i32: 0>} : vector<16xi32>
      %xor3A_845 = arith.constant 8 : i32
      %xor3A_846 = vector.broadcast %xor3A_845 : i32 to vector<16xi32>
      %xor3A_847 = arith.xori %iota3A_844, %xor3A_846 : vector<16xi32>
      %broadcast_in_dim3A_848 = vector.shape_cast %xor3A_847 : vector<16xi32> to vector<16x1xi32>
      %gather3A_849 = vector.shape_cast %broadcast_in_dim3A_848 : vector<16x1xi32> to vector<16xi32>
      %gather3A_850 = tpu.dynamic_gather %add3A_814[%gather3A_849] in [0] : vector<16xi32>, vector<16xi32> -> vector<16xi32>
      %add3A_851 = arith.addi %add3A_814, %gather3A_850 : vector<16xi32>
      %xor3A_852 = arith.constant 4 : i32
      %xor3A_853 = vector.broadcast %xor3A_852 : i32 to vector<16xi32>
      %xor3A_854 = arith.xori %iota3A_844, %xor3A_853 : vector<16xi32>
      %broadcast_in_dim3A_855 = vector.shape_cast %xor3A_854 : vector<16xi32> to vector<16x1xi32>
      %gather3A_856 = vector.shape_cast %broadcast_in_dim3A_855 : vector<16x1xi32> to vector<16xi32>
      %gather3A_857 = tpu.dynamic_gather %add3A_851[%gather3A_856] in [0] : vector<16xi32>, vector<16xi32> -> vector<16xi32>
      %add3A_858 = arith.addi %add3A_851, %gather3A_857 : vector<16xi32>
      %xor3A_859 = arith.constant 2 : i32
      %xor3A_860 = vector.broadcast %xor3A_859 : i32 to vector<16xi32>
      %xor3A_861 = arith.xori %iota3A_844, %xor3A_860 : vector<16xi32>
      %broadcast_in_dim3A_862 = vector.shape_cast %xor3A_861 : vector<16xi32> to vector<16x1xi32>
      %gather3A_863 = vector.shape_cast %broadcast_in_dim3A_862 : vector<16x1xi32> to vector<16xi32>
      %gather3A_864 = tpu.dynamic_gather %add3A_858[%gather3A_863] in [0] : vector<16xi32>, vector<16xi32> -> vector<16xi32>
      %add3A_865 = arith.addi %add3A_858, %gather3A_864 : vector<16xi32>
      %xor3A_866 = arith.constant 1 : i32
      %xor3A_867 = vector.broadcast %xor3A_866 : i32 to vector<16xi32>
      %xor3A_868 = arith.xori %iota3A_844, %xor3A_867 : vector<16xi32>
      %broadcast_in_dim3A_869 = vector.shape_cast %xor3A_868 : vector<16xi32> to vector<16x1xi32>
      %gather3A_870 = vector.shape_cast %broadcast_in_dim3A_869 : vector<16x1xi32> to vector<16xi32>
      %gather3A_871 = tpu.dynamic_gather %add3A_865[%gather3A_870] in [0] : vector<16xi32>, vector<16xi32> -> vector<16xi32>
      %add3A_872 = arith.addi %add3A_865, %gather3A_871 : vector<16xi32>
      %iota3A_873 = tpu.iota {dimensions = array<i32: 0>} : vector<16xi32>
      %lt3A_874 = arith.constant 4 : i32
      %lt3A_875 = vector.broadcast %lt3A_874 : i32 to vector<16xi32>
      %lt3A_876 = arith.cmpi slt, %iota3A_873, %lt3A_875 : vector<16xi32>
      %select_n3A_877 = arith.select %lt3A_876, %add3A_843, %add3A_872 : vector<16xi1>, vector<16xi32>
      %ge3A_878 = arith.constant 4 : i32
      %ge3A_879 = vector.broadcast %ge3A_878 : i32 to vector<16xi32>
      %ge3A_880 = arith.cmpi sge, %iota3A_873, %ge3A_879 : vector<16xi32>
      %sub3A_881 = arith.constant 4 : i32
      %sub3A_882 = vector.broadcast %sub3A_881 : i32 to vector<16xi32>
      %sub3A_883 = arith.subi %iota3A_873, %sub3A_882 : vector<16xi32>
      %select_n3A_884 = arith.select %ge3A_880, %sub3A_883, %iota3A_873 : vector<16xi1>, vector<16xi32>
      %min3A = arith.constant 3 : i32
      %min3A_885 = vector.broadcast %min3A : i32 to vector<16xi32>
      %min3A_886 = arith.minsi %select_n3A_884, %min3A_885 : vector<16xi32>
      %sub3A_887 = arith.constant 3 : i32
      %sub3A_888 = vector.broadcast %sub3A_887 : i32 to vector<16xi32>
      %sub3A_889 = arith.subi %sub3A_888, %min3A_886 : vector<16xi32>
      %mul3A_890 = arith.constant 6 : i32
      %mul3A_891 = vector.broadcast %mul3A_890 : i32 to vector<16xi32>
      %mul3A_892 = arith.muli %mul3A_891, %sub3A_889 : vector<16xi32>
      %shift_right_arithmetic3A = arith.shrsi %select_n3A_877, %mul3A_892 : vector<16xi32>
      %and3A = arith.constant 63 : i32
      %and3A_893 = vector.broadcast %and3A : i32 to vector<16xi32>
      %and3A_894 = arith.andi %shift_right_arithmetic3A, %and3A_893 : vector<16xi32>
      %swap3A_895 = arith.index_cast %scan3A_8 : i32 to index
      %swap3A_896 = arith.constant 0 : index
      %swap3A_897 = tpu.vector_load %arg7[%swap3A_895, %swap3A_896] {strides = array<i32>} : memref<256x16xi32, #tpu.memory_space<vmem>>, vector<1x16xi32>,
      %swap3A_898 = vector.shape_cast %swap3A_897 : vector<1x16xi32> to vector<16xi32>
      %swap3A_899 = vector.shape_cast %and3A_894 : vector<16xi32> to vector<1x16xi32>
      tpu.vector_store %arg7[%swap3A_895, %swap3A_896], %swap3A_899 {strides = array<i32>} : memref<256x16xi32, #tpu.memory_space<vmem>>, vector<1x16xi32>,
    }
    %scan3A_7 = arith.constant 256 : i32
    "tpu.region"() ({
      %run_scoped3A = tpu.sem_alloc : memref<!tpu.dma_semaphore, #tpu.memory_space<semaphore_mem>>
      %dma_start3A = arith.constant 0 : i32
      %dma_start3A_8 = tpu.memref_slice %arg3[%mul3A_2, %dma_start3A] : memref<8192x64xf32, #tpu.memory_space<hbm>> -> memref<256x64xf32, #tpu.memory_space<hbm>>
      %dma_start3A_9 = arith.constant 0 : i32
      %dma_start3A_10 = tpu.memref_slice %arg3[%mul3A_2, %dma_start3A_9] : memref<8192x64xf32, #tpu.memory_space<hbm>> -> memref<256x64xf32, #tpu.memory_space<hbm>>
      tpu.enqueue_dma source(%arg6 : memref<256x64xf32, #tpu.memory_space<vmem>>) target(%dma_start3A_10 : memref<256x64xf32, #tpu.memory_space<hbm>>) target_semaphore(%run_scoped3A : memref<!tpu.dma_semaphore, #tpu.memory_space<semaphore_mem>>)
      %dma_wait3A = arith.constant 0 : i32
      %dma_wait3A_11 = tpu.memref_slice %arg3[%mul3A_2, %dma_wait3A] : memref<8192x64xf32, #tpu.memory_space<hbm>> -> memref<256x64xf32, #tpu.memory_space<hbm>>
      %dma_wait3A_12 = arith.constant 0 : i32
      %dma_wait3A_13 = tpu.memref_slice %arg3[%mul3A_2, %dma_wait3A_12] : memref<8192x64xf32, #tpu.memory_space<hbm>> -> memref<256x64xf32, #tpu.memory_space<hbm>>
      tpu.wait_dma2 semaphore(%run_scoped3A : memref<!tpu.dma_semaphore, #tpu.memory_space<semaphore_mem>>) src(%arg6 : memref<256x64xf32, #tpu.memory_space<vmem>>) dst(%dma_wait3A_13 : memref<256x64xf32, #tpu.memory_space<hbm>>)
      tpu.yield
    }) : () -> ()
    "tpu.region"() ({
      %run_scoped3A = tpu.sem_alloc : memref<!tpu.dma_semaphore, #tpu.memory_space<semaphore_mem>>
      %dma_start3A = arith.constant 0 : i32
      %dma_start3A_8 = tpu.memref_slice %arg4[%mul3A_2, %dma_start3A] : memref<8192x16xi32, #tpu.memory_space<hbm>> -> memref<256x16xi32, #tpu.memory_space<hbm>>
      %dma_start3A_9 = arith.constant 0 : i32
      %dma_start3A_10 = tpu.memref_slice %arg4[%mul3A_2, %dma_start3A_9] : memref<8192x16xi32, #tpu.memory_space<hbm>> -> memref<256x16xi32, #tpu.memory_space<hbm>>
      tpu.enqueue_dma source(%arg7 : memref<256x16xi32, #tpu.memory_space<vmem>>) target(%dma_start3A_10 : memref<256x16xi32, #tpu.memory_space<hbm>>) target_semaphore(%run_scoped3A : memref<!tpu.dma_semaphore, #tpu.memory_space<semaphore_mem>>)
      %dma_wait3A = arith.constant 0 : i32
      %dma_wait3A_11 = tpu.memref_slice %arg4[%mul3A_2, %dma_wait3A] : memref<8192x16xi32, #tpu.memory_space<hbm>> -> memref<256x16xi32, #tpu.memory_space<hbm>>
      %dma_wait3A_12 = arith.constant 0 : i32
      %dma_wait3A_13 = tpu.memref_slice %arg4[%mul3A_2, %dma_wait3A_12] : memref<8192x16xi32, #tpu.memory_space<hbm>> -> memref<256x16xi32, #tpu.memory_space<hbm>>
      tpu.wait_dma2 semaphore(%run_scoped3A : memref<!tpu.dma_semaphore, #tpu.memory_space<semaphore_mem>>) src(%arg7 : memref<256x16xi32, #tpu.memory_space<vmem>>) dst(%dma_wait3A_13 : memref<256x16xi32, #tpu.memory_space<hbm>>)
      tpu.yield
    }) : () -> ()
    return
  }
}

module attributes {stable_mosaic.version = 14 : i64} {
  func.func @_matmul_body(%arg0: i32, %arg1: memref<1024x2048xf32, #tpu.memory_space<vmem>>, %arg2: memref<2048x64xf32, #tpu.memory_space<vmem>>, %arg3: memref<1x64xf32, #tpu.memory_space<vmem>>, %arg4: memref<1024x64xf32, #tpu.memory_space<vmem>>) attributes {dimension_semantics = [#tpu.dimension_semantics<arbitrary>], iteration_bounds = array<i64: 8>, scalar_prefetch = 0 : i64, scratch_operands = 0 : i64, tpu.core_type = #tpu.core_type<tc>, window_params = [{transform_indices = @transform_0, window_bounds = array<i64: 1024, 2048>}, {pipeline_mode = #tpu.pipeline_mode<synchronous>, transform_indices = @transform_1, window_bounds = array<i64: 2048, 64>}, {pipeline_mode = #tpu.pipeline_mode<synchronous>, transform_indices = @transform_2, window_bounds = array<i64: 1, 64>}, {transform_indices = @transform_3, window_bounds = array<i64: 1024, 64>}]} {
    %get3A = arith.constant 0 : index
    %get3A_0 = arith.constant 0 : index
    %get3A_1 = vector.load %arg1[%get3A, %get3A_0] : memref<1024x2048xf32, #tpu.memory_space<vmem>>, vector<1024x2048xf32>
    %get3A_2 = arith.constant 0 : index
    %get3A_3 = arith.constant 0 : index
    %get3A_4 = vector.load %arg2[%get3A_2, %get3A_3] : memref<2048x64xf32, #tpu.memory_space<vmem>>, vector<2048x64xf32>
    %dot_general3A = arith.constant dense<0.000000e+00> : vector<1024x64xf32>
    %dot_general3A_5 = tpu.matmul %get3A_1, %get3A_4, %dot_general3A {dimension_numbers = #tpu.dot_dimension_numbers<[1], [0], [0], [1], [0, 0, 1, 1], [], []>, transpose_lhs_hint = false} : vector<1024x2048xf32>, vector<2048x64xf32>, vector<1024x64xf32> -> vector<1024x64xf32>
    %get3A_6 = arith.constant 0 : index
    %get3A_7 = arith.constant 0 : index
    %get3A_8 = vector.load %arg3[%get3A_6, %get3A_7] : memref<1x64xf32, #tpu.memory_space<vmem>>, vector<1x64xf32>
    %add3A = vector.broadcast %get3A_8 : vector<1x64xf32> to vector<1024x64xf32>
    %add3A_9 = arith.addf %dot_general3A_5, %add3A : vector<1024x64xf32>
    %swap3A = arith.constant 0 : index
    %swap3A_10 = arith.constant 0 : index
    %swap3A_11 = vector.load %arg4[%swap3A, %swap3A_10] : memref<1024x64xf32, #tpu.memory_space<vmem>>, vector<1024x64xf32>
    tpu.vector_store %arg4[%swap3A, %swap3A_10], %add3A_9 {strides = array<i32>} : memref<1024x64xf32, #tpu.memory_space<vmem>>, vector<1024x64xf32>,
    return
  }
  func.func @transform_0(%arg0: i32) -> (i32, i32) {
    %c0_i32 = arith.constant 0 : i32
    %c0_i32_0 = arith.constant 0 : i32
    return %arg0, %c0_i32 : i32, i32
  }
  func.func @transform_1(%arg0: i32) -> (i32, i32) {
    %c0_i32 = arith.constant 0 : i32
    %c0_i32_0 = arith.constant 0 : i32
    %c0_i32_1 = arith.constant 0 : i32
    return %c0_i32, %c0_i32_0 : i32, i32
  }
  func.func @transform_2(%arg0: i32) -> (i32, i32) {
    %c0_i32 = arith.constant 0 : i32
    %c0_i32_0 = arith.constant 0 : i32
    %c0_i32_1 = arith.constant 0 : i32
    return %c0_i32, %c0_i32_0 : i32, i32
  }
  func.func @transform_3(%arg0: i32) -> (i32, i32) {
    %c0_i32 = arith.constant 0 : i32
    %c0_i32_0 = arith.constant 0 : i32
    return %arg0, %c0_i32 : i32, i32
  }
}

</mosaic_0001>

<sc_bundles>
// kernel: kernel.4.cloned.1.call-start
scs
__scs_entry_jumppad:
0x0: {  	(pc) =	sbr.rel $0x88, $3  }
0x1: {  	(tag) =	ssettag $0x0;
	lr =	simm.s32 $0x1  }
0x2: {  	[smem:$0x3F9E] =	sst lr;
	_ =	strace $0xD0000000  }
0x3: {  	_ = 	snop  }
0x4: {  	_ = 	snop  }
0x5: {  	_ = 	snop  }
0x6: {  	_ = 	snop  }
0x7: {  	_ = 	snop  }
__scs_overlays_trampoline_lowered:
0x8: {  	[smem:$0x3FAD] =	sst s0  }
0x9: {  	[smem:$0x3FAE] =	sst s1  }
0xa: {  	[smem:$0x3FAF] =	sst s2  }
0xb: {  	[smem:$0x3FB0] =	sst s3  }
0xc: {  	[smem:$0x3FB1] =	sst s4  }
0xd: {  	[smem:$0x3FB2] =	sst s5  }
0xe: {  	[smem:$0x3FB3] =	sst s6  }
0xf: {  	[smem:$0x3FB4] =	sst s7  }
0x10: {  	[smem:$0x3FB5] =	sst s8  }
0x11: {  	[smem:$0x3FB6] =	sst s9;
	s0 =	simm.s32 @!p0 $0x0  }
0x12: {  	s1 =	sld [smem:$0x3F9C];
	s0 =	simm.s32 @p0 $0x1  }
0x13: {  	[smem:$0x3FB7] =	sst s0;
	s0 =	simm.s32 @!p1 $0x0  }
0x14: {  	s2 =	sld [smem:$0x3F9B];
	s0 =	simm.s32 @p1 $0x1  }
0x15: {  	[smem:$0x3FB8] =	sst s0;
	s0 =	simm.s32 @!p2 $0x0  }
0x16: {  	s3 =	sld [smem:$0x3FDB];
	s0 =	simm.s32 @p2 $0x1  }
0x17: {  	s4 =	simm.s32 $0x1BF5;
	[smem:$0x3FBA] =	sst s0  }
0x18: {  	s0 =	sld [smem:$0x3F9D];
	_ =	swait.ge [sflag:s4], $0x0  }
0x19: {  	s7 =	sld [smem:$0x3F9E]  }
0x1a: {  	s8 =	sadd.s32 $0xFFFFE003, lr  }
0x1b: {  	s9 =	sadd.s32 $0xFFFFFEF7, lr;
	s5 =	simm.s32 $0xFFFFFFFF;
	p2 =	slt.u32 s8, $0xFFFFF086  }
0x1c: {  	p1 =	slt.u32 s9, $0xF7A;
	s5 =	simm.s32 @!p2 $0x0  }
0x1d: {  	s5 =	simm.s32 @p1 $0x1;
	p0 =	seq.s32 s7, s2  }
0x1e: {  	s7 =	smul.u32 @!p0 $0xF7A, s2;
	p2 =	seq.s32 @!p0 s5, $0x0  }
0x1f: {  	s9 =	smul.u32 $0xF7A, s1;
	s8 =	simm.s32 @!p0 $0x1BF5;
	p2 =	por !p2, p0  }
0x20: {  	[sflag:s8] =	ssyncset.s32 @!p0 $0xFFFFF086;
	s6 =	sadd.s32 @!p0 s3, s7;
	s7 =	simm.s32 @!p0 $0x108  }
0x21: {  	s3 =	sadd.s32 s3, s9;
	s6 =	sadd.s32 @!p0 $0x88, s6;
	s7 =	simm.s32 @p2 $0x1082  }
0x22: {  	[simem:s7], [sflag:s8] =	dma.local @!p0 [hbm:s6], $0xF7A  }
0x23: {  	s9 =	sor.u32 $0xD0000000, s2;
	s6 =	simm.s32 $0x108;
	_ =	swait.ge @!p0 [sflag:s8], $0x0  }
0x24: {  	s3 =	sadd.s32 $0x88, s3;
	s6 =	simm.s32 @!p1 $0x1082;
	[sflag:s4] =	ssyncset.s32 $0xFFFFF086  }
0x25: {  	[simem:s6], [sflag:s4] =	dma.local [hbm:s3], $0xF7A  }
0x26: {  	[smem:$0x3F9E] =	sst s1;
	(tag) =	ssettag s2;
	_ =	strace s9  }
0x27: {  	s1 =	sld [smem:$0x3FAE]  }
0x28: {  	s2 =	sld [smem:$0x3FAF]  }
0x29: {  	s4 =	sld [smem:$0x3FB1]  }
0x2a: {  	p0 =	seq.s32 s5, $0x0;
	s5 =	sld [smem:$0x3FB2]  }
0x2b: {  	s6 =	sld [smem:$0x3FB3]  }
0x2c: {  	s7 =	sld [smem:$0x3FB4]  }
0x2d: {  	s3 =	simm.s32 $0x108;
	s8 =	sld [smem:$0x3FB5]  }
0x2e: {  	s3 =	simm.s32 @!p0 $0x1082;
	s9 =	sld [smem:$0x3FB6]  }
0x2f: {  	lr =	sadd.s32 s0, s3;
	s0 =	sld [smem:$0x3FAD]  }
0x30: {  	s3 =	sld [smem:$0x3FB0]  }
0x31: {  	[smem:$0x3FB9] =	sst s10  }
0x32: {  	s10 =	sld [smem:$0x3FB7];
	_ =	sdelay $0x3  }
0x33: {  	p0 =	seq.s32 s10, $0x1;
	s10 =	sld [smem:$0x3FB9];
	_ =	sdelay $0x3  }
0x34: {  	[smem:$0x3FB9] =	sst s10  }
0x35: {  	s10 =	sld [smem:$0x3FB8];
	_ =	sdelay $0x3  }
0x36: {  	p1 =	seq.s32 s10, $0x1;
	s10 =	sld [smem:$0x3FB9];
	_ =	sdelay $0x3  }
0x37: {  	[smem:$0x3FB9] =	sst s10  }
0x38: {  	s10 =	sld [smem:$0x3FBA]  }
0x39: {  	_ = 	snop;
	(pc) =	sbr.ind lr, $3  }
0x3a: {  	_ = 	snop  }
0x3b: {  	_ = 	snop  }
0x3c: {  	p2 =	seq.s32 s10, $0x1;
	s10 =	sld [smem:$0x3FB9]  }
0x3d: {  	_ =	shalt  }
0x3e: {  	_ =	shalt  }
0x3f: {  	_ =	shalt  }
0x40: {  	_ =	shalt  }
0x41: {  	_ =	shalt  }
0x42: {  	_ =	shalt  }
0x43: {  	_ =	shalt  }
0x44: {  	_ =	shalt  }
0x45: {  	_ =	shalt  }
0x46: {  	_ =	shalt  }
0x47: {  	_ =	shalt  }
0x48: {  	_ =	shalt  }
0x49: {  	_ =	shalt  }
0x4a: {  	_ =	shalt  }
0x4b: {  	_ =	shalt  }
0x4c: {  	_ =	shalt  }
0x4d: {  	_ =	shalt  }
0x4e: {  	_ =	shalt  }
0x4f: {  	_ =	shalt  }
0x50: {  	_ =	shalt  }
0x51: {  	_ =	shalt  }
0x52: {  	_ =	shalt  }
0x53: {  	_ =	shalt  }
0x54: {  	_ =	shalt  }
0x55: {  	_ =	shalt  }
0x56: {  	_ =	shalt  }
0x57: {  	_ =	shalt  }
0x58: {  	_ =	shalt  }
0x59: {  	_ =	shalt  }
0x5a: {  	_ =	shalt  }
0x5b: {  	_ =	shalt  }
0x5c: {  	_ =	shalt  }
0x5d: {  	_ =	shalt  }
0x5e: {  	_ =	shalt  }
0x5f: {  	_ =	shalt  }
0x60: {  	_ =	shalt  }
0x61: {  	_ =	shalt  }
0x62: {  	_ =	shalt  }
0x63: {  	_ =	shalt  }
0x64: {  	_ =	shalt  }
0x65: {  	_ =	shalt  }
0x66: {  	_ =	shalt  }
0x67: {  	_ =	shalt  }
0x68: {  	_ =	shalt  }
0x69: {  	_ =	shalt  }
0x6a: {  	_ =	shalt  }
0x6b: {  	_ =	shalt  }
0x6c: {  	_ =	shalt  }
0x6d: {  	_ =	shalt  }
0x6e: {  	_ =	shalt  }
0x6f: {  	_ =	shalt  }
0x70: {  	_ =	shalt  }
0x71: {  	_ =	shalt  }
0x72: {  	_ =	shalt  }
0x73: {  	_ =	shalt  }
0x74: {  	_ =	shalt  }
0x75: {  	_ =	shalt  }
0x76: {  	_ =	shalt  }
0x77: {  	_ =	shalt  }
0x78: {  	_ =	shalt  }
0x79: {  	_ =	shalt  }
0x7a: {  	_ =	shalt  }
0x7b: {  	_ =	shalt  }
0x7c: {  	_ =	shalt  }
0x7d: {  	_ =	shalt  }
0x7e: {  	_ =	shalt  }
0x7f: {  	_ =	shalt  }
0x80: {  	_ =	shalt  }
0x81: {  	_ =	shalt  }
0x82: {  	_ =	shalt  }
0x83: {  	_ =	shalt  }
0x84: {  	_ =	shalt  }
0x85: {  	_ =	shalt  }
0x86: {  	_ =	shalt  }
0x87: {  	_ =	shalt  }
.Lfunc_end0:
.L_simem_size_0:
called_computation_lowered:
.L_overlay_start_0:
0x88: {  	s2 =	sld [smem:$0x3FD9]  }
0x89: {  	s3 =	sld [smem:$0x3FFE];
	_ =	sdelay $0x1  }
0x8a: {  	s1 =	srdreg.scid  }
0x8b: {  	s0 =	sand.u32 $0x1, s1  }
0x8c: {  	s16 =	sshll.u32 s0, $0xA;
	s2 =	sadd.s32 s3, s2  }
0x8d: {  	s2 =	sadd.s32 s2, s16  }
0x8e: {  	[smem:$0x3FC5] =	sst s2  }
0x8f: {  	_ = 	snop  }
0x90: {  	(tm) =	ssettm $0x1  }
0x91: {  	s17 =	sld [smem:$0x3FFB];
	_ =	sdelay $0x3  }
0x92: {  	_ =	strace s17  }
0x93: {  	s2 =	sld [smem:$0x3FFC];
	_ =	sdelay $0x3  }
0x94: {  	_ =	strace s2  }
0x95: {  	s2 =	sld [smem:$0x3FFD];
	_ =	sdelay $0x3  }
0x96: {  	_ =	strace s2  }
0x97: {  	_ =	strace $0x8FFFFFFF  }
0x98: {  	s18 =	sld [smem:$0x3FDB];
	_ =	sdelay $0x1  }
0x99: {  	s19 =	simm.s32 $_scs_section_size  }
0x9a: {  	s4 =	simm.s32 $_size__tile_overlayer_lowered;
	s5 =	simm.s32 $_tile_overlayer_lowered  }
0x9b: {  	s22 =	simm.s32 $0x1BFF;
	s21 =	sshll.u32 s5, $0x1;
	s2 =	sadd.s32 s19, s18  }
0x9c: {  	s6 =	simm.s32 $0x0;
	s20 =	sshll.u32 s4, $0x1;
	s4 =	sadd.s32 s21, s2  }
0x9d: {  	[timem:s6], [sflag:s22] =	dma.local [hbm:s4], s20  }
0x9e: {  	_ =	swait.ge [sflag:s22], s20  }
0x9f: {  	s3 =	ssub.s32 $0x0, s20;
	[sflag:s22] =	ssyncset.done $0x0  }
0xa0: {  	[sflag:s22] =	ssyncadd.s32 s3;
	_ =	sdelay $0x1  }
0xa1: {  	s23 =	simm.s32 $0x1B8B  }
0xa2: {  	_ =	swait.ge [sflag:s23], $0x1  }
0xa3: {  	[sflag:s23] =	ssyncset.done $0x0  }
0xa4: {  	s25 =	simm.s32 $0x1B8E;
	s24 =	sld [smem:$0x3FFE];
	[sflag:s23] =	ssyncadd.s32 $0xFFFFFFFF  }
0xa5: {  	s26 =	simm.s32 $execute0_lowered;
	[smem:$0x3FD2] =	sst s25  }
0xa6: {  	s4 =	sshll.u32 s26, $0x1;
	_ =	strace $0x80000046;
	[dreg:$0x1] =	wrdreg $0xFFFFFFFF  }
0xa7: {  	s28 =	simm.s32 $_size_execute0_lowered;
	s2 =	sadd.s32 s2, s4;
	[dreg:$0x0] =	wrdreg $0x0  }
0xa8: {  	s4 =	sshll.u32 s28, $0x1;
	[dreg:$0x2] =	wrdreg s2  }
0xa9: {  	[dreg:$0x3] =	wrdreg s4  }
0xaa: {  	[dreg:$0x4] =	wrdreg $0xC0  }
0xab: {  	_ =	task [dreg:s6], $0x5FFFF  }
0xac: {  	[dreg:$0x1] =	wrdreg $0xFFFFFFFF  }
0xad: {  	[dreg:$0x0] =	wrdreg $0x60  }
0xae: {  	[dreg:$0x2] =	wrdreg s24  }
0xaf: {  	[dreg:$0x3] =	wrdreg $0x9  }
0xb0: {  	_ =	task.clear_ibuf [dreg:s6], $0x4FFFF;
	_ =	strace $0x90000046  }
0xb1: {  	s29 =	simm.s32 $0x9;
	_ =	strace $0x80000048  }
0xb2: {  	_ =	swait.ge [sflag:s29], $0x1  }
0xb3: {  	[sflag:s29] =	ssyncadd.s32 $0xFFFFFFFF  }
0xb4: {  	_ =	strace $0x90000048  }
0xb5: {  	_ =	sfence  }
0xb6: {  	s30 =	sld [smem:$0x0];
	_ =	sdelay $0x2  }
0xb7: {  	s31 =	sshll.u32 s1, $0xD;
	s1 =	sshrl.u32 s1, $0x2  }
0xb8: {  	s3 =	sand.u32 $0x4000, s31;
	s1 =	sadd.s32 s1, s30  }
0xb9: {  	s0 =	sor.u32 s3, s0;
	s1 =	sshll.u32 s1, $0x11  }
0xba: {  	s0 =	sor.u32 s1, s0  }
0xbb: {  	s0 =	sadd.s32 $0x8F2B, s0  }
0xbc: {  	[sflag:s0] =	ssyncadd.remote.s32 $0x1  }
0xbd: {  	_ =	sfence.sel $0xFFFF  }
0xbe: {  	[dreg:$0x0] =	wrdreg $0xFFFFFFFF;
	(pc) =	sbr.abs _section_cstart, $3  }
0xbf: {  	[dreg:$0x1] =	wrdreg $0xFFFFFFFF  }
0xc0: {  	_ =	task.clear_ibuf [dreg:s6], $0x2FFFF;
	_ =	strace $0x9FFFFFFF  }
0xc1: {  	(tm) =	ssettm $0x7FFFFFFF  }
tec
execute0_lowered:
.L_overlay_start_1:
0x0: {  	(tag) =	ssettag $0x1  }
0x1: {  	v0 =	vimm.s32 $0xFEDCBA98;
	v1 =	vimm.s32 $0x76543210;
	v2 =	vimm.s32 $0xBA98FEDC  }
0x2: {  	v3 =	vimm.s32 $0x32107654;
	v4 =	vimm.s32 $0xDCFE98BA;
	v5 =	vimm.s32 $0x54761032  }
0x3: {  	v6 =	vimm.s32 $0xEFCDAB89;
	v7 =	vimm.s32 $0x67452301;
	vm1 =	vcmask $0x1F00  }
0x4: {  	v0 =	vunpack.c.l.s4.s8 v0;
	v1 =	vunpack.c.l.s4.s8 v1;
	v2 =	vunpack.c.l.s4.s8 v2  }
0x5: {  	v3 =	vunpack.c.l.s4.s8 v3;
	v4 =	vunpack.c.l.s4.s8 v4;
	v5 =	vunpack.c.l.s4.s8 v5  }
0x6: {  	v6 =	vunpack.c.l.s4.s8 v6;
	v7 =	vunpack.c.l.s4.s8 v7;
	v0 =	vunpack.c.0.s8.s32 v0  }
0x7: {  	s3 =	rddreg [dreg:$0x0];
	s2 =	srdreg.scid;
	v2 =	vunpack.c.0.s8.s32 v2;
	v3 =	vunpack.c.0.s8.s32 v3;
	v4 =	vunpack.c.0.s8.s32 v4  }
0x8: {  	s0 =	rddreg [dreg:$0x1];
	s1 =	stileid.u32;
	s7 =	simm.s32 $0x1;
	v5 =	vunpack.c.0.s8.s32 v5;
	v6 =	vunpack.c.0.s8.s32 v6;
	v7 =	vunpack.c.0.s8.s32 v7  }
0x9: {  	vm0 =	vmmov $0xf;
	s8 =	simm.s32 $0x8000;
	s9 =	simm.s32 $0x10000;
	s4 =	sand.u32 $0x1, s2;
	v1 =	vunpack.c.0.s8.s32 v1;
	v2 =	vcombine.low v3, v2  }
0xa: {  	s10 =	simm.s32 $0x0;
	s5 =	sshll.u32 s1, $0xD;
	s6 =	sshll.u32 s4, $0xC;
	v0 =	vand.u32 $0xF, v0;
	v3 =	vcombine.low v5, v4;
	v4 =	vcombine.low v7, v6  }
0xb: {  	s2 =	simm.s32 $0x0;
	s4 =	ssub.s32 $0x2, s4;
	s5 =	sor.u32 s6, s5;
	v6 =	vimm.s32 $0x60C12;
	v5 =	vlaneseq.u32;
	v0 =	vcombine.low v0, v1  }
0xc: {  	[smem:$0x7FF] =	sst s2;
	s30 =	sshrl.u32 s4, $0x1;
	s5 =	sadd.s32 s5, s3;
	v9 =	vunpack.c.0.s8.s32 v6;
	v6 =	vor.u32 $0x10, v5;
	v7 =	vor.u32 $0x20, v5  }
0xd: {  	_ =	strace $0x80000047;
	s31 =	ssub.s32 s4, s30;
	s3 =	sadd.s32 $0xE00, s5;
	v8 =	vor.u32 $0x30, v5;
	v1 =	vand.u32 $0xF, v2;
	v2 =	vand.u32 $0xF, v3  }
0xe: {  	s4 =	sadd.s32 $0x20E00, s5;
	s5 =	sadd.s32 $0x40E00, s5;
	s6 =	smax.u32 s31, $0x1;
	v3 =	vand.u32 $0xF, v4;
	v4 =	vimm.s32 $0x0;
	v9 =	vnsel vm1, $0x0, v9  }
.LBB2_1:
0xf: {  	[tilespmem:s2], [sflag:$0x1] =	stream.linear.gather [hbm4b:s3+s2], $0x8000, $0x38;
	[tilespmem:$0x18000] =	vst v63  }
0x10: {  	_ =	swait.ge [sflag:s7], $0x8000  }
0x11: {  	[sflag:s7] =	ssyncset.done $0x0  }
0x12: {  	s11 =	simm.s32 $0x0;
	[sflag:s7] =	ssyncadd.s32 $0xFFFF8000  }
0x13: {  	v18 =	vld [tilespmem:s11+$0x0]  }
0x14: {  	v16 =	vld [tilespmem:s11+$0x10]  }
0x15: {  	v17 =	vld [tilespmem:s11+$0x20]  }
0x16: {  	v15 =	vld [tilespmem:s11+$0x30];
	_ =	sdelay $0x4  }
0x17: {  	v10 =	vmax.f32 v18, v16;
	v11 =	vmax.f32 v17, v15  }
0x18: {  	v10 =	vmax.f32 v10, v11  }
0x19: {  	v11 =	vperm.xlane v10, v0;
	_ =	sdelay $0x1  }
0x1a: {  	v10 =	vmax.f32 v10, v11  }
0x1b: {  	v11 =	vperm.xlane v10, v1;
	_ =	sdelay $0x1  }
0x1c: {  	v10 =	vmax.f32 v10, v11  }
0x1d: {  	v11 =	vperm.xlane v10, v2;
	_ =	sdelay $0x1  }
0x1e: {  	v10 =	vmax.f32 v10, v11  }
0x1f: {  	v11 =	vperm.xlane v10, v3;
	_ =	sdelay $0x1  }
0x20: {  	v19 =	vmax.f32 v10, v11  }
0x21: {  	vm1 =	veq.f32 v18, v19;
	vm2 =	veq.f32 v16, v19  }
0x22: {  	vm3 =	veq.f32 v17, v19;
	vm4 =	veq.f32 v15, v19;
	v10 =	vsel vm1, $0xFF800000, v18  }
0x23: {  	v11 =	vsel vm2, $0xFF800000, v16;
	v12 =	vsel vm3, $0xFF800000, v17;
	v13 =	vsel vm4, $0xFF800000, v15  }
0x24: {  	v14 =	vmax.f32 v10, v11;
	v20 =	vmax.f32 v12, v13  }
0x25: {  	v14 =	vmax.f32 v14, v20  }
0x26: {  	v20 =	vperm.xlane v14, v0;
	_ =	sdelay $0x1  }
0x27: {  	v14 =	vmax.f32 v14, v20  }
0x28: {  	v20 =	vperm.xlane v14, v1;
	_ =	sdelay $0x1  }
0x29: {  	v14 =	vmax.f32 v14, v20  }
0x2a: {  	v20 =	vperm.xlane v14, v2;
	_ =	sdelay $0x1  }
0x2b: {  	v14 =	vmax.f32 v14, v20  }
0x2c: {  	v20 =	vperm.xlane v14, v3;
	_ =	sdelay $0x1  }
0x2d: {  	v14 =	vmax.f32 v14, v20  }
0x2e: {  	vm1 =	veq.f32 v10, v14;
	vm2 =	veq.f32 v11, v14  }
0x2f: {  	vm3 =	veq.f32 v12, v14;
	v10 =	vsel vm1, $0xFF800000, v10;
	vm1 =	veq.f32 v13, v14  }
0x30: {  	v11 =	vsel vm2, $0xFF800000, v11;
	v12 =	vsel vm3, $0xFF800000, v12;
	v13 =	vsel vm1, $0xFF800000, v13  }
0x31: {  	v20 =	vmax.f32 v10, v11;
	v21 =	vmax.f32 v12, v13  }
0x32: {  	v20 =	vmax.f32 v20, v21  }
0x33: {  	v21 =	vperm.xlane v20, v0;
	_ =	sdelay $0x1  }
0x34: {  	v20 =	vmax.f32 v20, v21  }
0x35: {  	v21 =	vperm.xlane v20, v1;
	_ =	sdelay $0x1  }
0x36: {  	v20 =	vmax.f32 v20, v21  }
0x37: {  	v21 =	vperm.xlane v20, v2;
	_ =	sdelay $0x1  }
0x38: {  	v20 =	vmax.f32 v20, v21  }
0x39: {  	v21 =	vperm.xlane v20, v3;
	_ =	sdelay $0x1  }
0x3a: {  	v20 =	vmax.f32 v20, v21  }
0x3b: {  	vm1 =	veq.f32 v10, v20;
	vm2 =	veq.f32 v11, v20  }
0x3c: {  	vm3 =	veq.f32 v13, v20;
	v10 =	vsel vm1, $0xFF800000, v10;
	vm1 =	veq.f32 v12, v20  }
0x3d: {  	v11 =	vsel vm2, $0xFF800000, v11;
	v13 =	vsel vm3, $0xFF800000, v13;
	v12 =	vsel vm1, $0xFF800000, v12  }
0x3e: {  	v21 =	vmax.f32 v10, v11;
	v22 =	vmax.f32 v12, v13  }
0x3f: {  	v21 =	vmax.f32 v21, v22  }
0x40: {  	v22 =	vperm.xlane v21, v0;
	_ =	sdelay $0x1  }
0x41: {  	v21 =	vmax.f32 v21, v22  }
0x42: {  	v22 =	vperm.xlane v21, v1;
	_ =	sdelay $0x1  }
0x43: {  	v21 =	vmax.f32 v21, v22  }
0x44: {  	v22 =	vperm.xlane v21, v2;
	_ =	sdelay $0x1  }
0x45: {  	v21 =	vmax.f32 v21, v22  }
0x46: {  	v22 =	vperm.xlane v21, v3;
	_ =	sdelay $0x1  }
0x47: {  	v21 =	vmax.f32 v21, v22  }
0x48: {  	vm1 =	veq.f32 v10, v21;
	vm2 =	veq.f32 v11, v21  }
0x49: {  	vm3 =	veq.f32 v13, v21;
	v10 =	vsel vm1, $0xFF800000, v10;
	vm1 =	veq.f32 v12, v21  }
0x4a: {  	v11 =	vsel vm2, $0xFF800000, v11;
	v13 =	vsel vm3, $0xFF800000, v13;
	v12 =	vsel vm1, $0xFF800000, v12  }
0x4b: {  	v22 =	vmax.f32 v10, v11;
	v23 =	vmax.f32 v12, v13  }
0x4c: {  	v22 =	vmax.f32 v22, v23  }
0x4d: {  	v23 =	vperm.xlane v22, v0;
	_ =	sdelay $0x1  }
0x4e: {  	v22 =	vmax.f32 v22, v23  }
0x4f: {  	v23 =	vperm.xlane v22, v1;
	_ =	sdelay $0x1  }
0x50: {  	v22 =	vmax.f32 v22, v23  }
0x51: {  	v23 =	vperm.xlane v22, v2  }
0x52: {  	vm2 =	vlt.f32 v16, v19;
	vm3 =	vlt.f32 v18, v14;
	vm1 =	vlt.f32 v18, v19  }
0x53: {  	v26 =	vsel vm2, $0x1, v4;
	v28 =	vsel vm3, $0x1, v4;
	v22 =	vmax.f32 v22, v23  }
0x54: {  	v24 =	vsel vm1, $0x1, v4;
	vm1 =	vlt.f32 v17, v19;
	v23 =	vperm.xlane v22, v3  }
0x55: {  	vm2 =	vlt.f32 v16, v14;
	v25 =	vsel vm1, $0x1, v4;
	vm1 =	vlt.f32 v15, v19  }
0x56: {  	v24 =	vadd.s32 v24, v28;
	v27 =	vsel vm1, $0x1, v4;
	v22 =	vmax.f32 v22, v23  }
0x57: {  	vm1 =	vlt.f32 v17, v14;
	vm3 =	veq.f32 v10, v22;
	vm15 =	veq.f32 v11, v22  }
0x58: {  	vm5 =	veq.f32 v13, v22;
	v23 =	vsel vm3, $0xFF800000, v10;
	vm3 =	veq.f32 v12, v22  }
0x59: {  	v28 =	vsel vm15, $0xFF800000, v11;
	v30 =	vsel vm5, $0xFF800000, v13;
	v29 =	vsel vm3, $0xFF800000, v12  }
0x5a: {  	v10 =	vsel vm1, $0x1, v4;
	v11 =	vmax.f32 v23, v28;
	v12 =	vmax.f32 v29, v30  }
0x5b: {  	vm1 =	vlt.f32 v15, v14;
	v10 =	vadd.s32 v25, v10;
	v11 =	vmax.f32 v11, v12  }
0x5c: {  	v13 =	vsel vm1, $0x1, v4;
	v12 =	vsel vm2, $0x1, v4;
	v14 =	vperm.xlane v11, v0  }
0x5d: {  	vm1 =	vlt.f32 v18, v20;
	vm2 =	vlt.f32 v16, v20;
	v25 =	vadd.s32 v26, v12  }
0x5e: {  	v26 =	vadd.s32 v27, v13;
	v12 =	vsel vm1, $0x1, v4;
	v11 =	vmax.f32 v11, v14  }
0x5f: {  	s12 =	simm.s32 $0x80;
	vm1 =	vlt.f32 v17, v20;
	v27 =	vsel vm2, $0x1, v4;
	v14 =	vperm.xlane v11, v1  }
0x60: {  	vm2 =	vlt.f32 v17, v21;
	v13 =	vsel vm1, $0x1, v4;
	v24 =	vadd.s32 v12, v24;
	v12 =	vld [tilespmem:s12+$0x0]  }
0x61: {  	vm1 =	vlt.f32 v15, v20;
	v31 =	vadd.s32 v13, v10;
	v10 =	vld [tilespmem:s12+$0x10];
	v14 =	vmax.f32 v11, v14  }
0x62: {  	v25 =	vadd.s32 v27, v25;
	v13 =	vld [tilespmem:s12+$0x20];
	v11 =	vsel vm1, $0x1, v4;
	v20 =	vperm.xlane v14, v2  }
0x63: {  	v32 =	vsel vm2, $0x1, v4;
	vm1 =	vlt.f32 v18, v21;
	v26 =	vadd.s32 v11, v26;
	v11 =	vld [tilespmem:s12+$0x30]  }
0x64: {  	v27 =	vsel vm1, $0x1, v4;
	vm1 =	vlt.f32 v16, v21;
	v14 =	vmax.f32 v14, v20  }
0x65: {  	v20 =	vadd.s32 v27, v24;
	v24 =	vsel vm1, $0x1, v4;
	v27 =	vperm.xlane v14, v3  }
0x66: {  	v31 =	vadd.s32 v32, v31;
	vm1 =	vlt.f32 v15, v21;
	v21 =	vadd.s32 v24, v25  }
0x67: {  	v24 =	vsel vm1, $0x1, v4;
	v25 =	vmax.f32 v12, v10;
	v27 =	vmax.f32 v14, v27  }
0x68: {  	v24 =	vadd.s32 v24, v26;
	v14 =	vmax.f32 v13, v11;
	vm1 =	veq.f32 v23, v27  }
0x69: {  	vm2 =	veq.f32 v28, v27;
	vm3 =	veq.f32 v30, v27;
	v14 =	vmax.f32 v25, v14  }
0x6a: {  	v47 =	vsel vm1, $0xFF800000, v23;
	vm1 =	veq.f32 v29, v27;
	v28 =	vsel vm2, $0xFF800000, v28  }
0x6b: {  	v30 =	vsel vm3, $0xFF800000, v30;
	v26 =	vperm.xlane v14, v0;
	v29 =	vsel vm1, $0xFF800000, v29  }
0x6c: {  	vm2 =	vlt.f32 v17, v22;
	v23 =	vmax.f32 v47, v28;
	v25 =	vmax.f32 v29, v30  }
0x6d: {  	vm1 =	vlt.f32 v18, v22;
	v34 =	vsel vm2, $0x1, v4;
	v23 =	vmax.f32 v23, v25  }
0x6e: {  	vm2 =	vlt.f32 v17, v27;
	v14 =	vmax.f32 v14, v26;
	v25 =	vperm.xlane v23, v0  }
0x6f: {  	v33 =	vsel vm1, $0x1, v4;
	vm1 =	vlt.f32 v16, v22;
	v26 =	vperm.xlane v14, v1  }
0x70: {  	v31 =	vadd.s32 v34, v31;
	v20 =	vadd.s32 v33, v20;
	v23 =	vmax.f32 v23, v25  }
0x71: {  	v14 =	vmax.f32 v14, v26;
	v25 =	vsel vm1, $0x1, v4;
	v48 =	vperm.xlane v23, v1  }
0x72: {  	vm1 =	vlt.f32 v15, v22;
	v22 =	vperm.xlane v14, v2;
	v21 =	vadd.s32 v25, v21  }
0x73: {  	v25 =	vsel vm1, $0x1, v4;
	vm1 =	vlt.f32 v18, v27;
	v23 =	vmax.f32 v23, v48  }
0x74: {  	v49 =	vadd.s32 v25, v24;
	v14 =	vmax.f32 v14, v22;
	v26 =	vperm.xlane v23, v2  }
0x75: {  	v24 =	vsel vm1, $0x1, v4;
	vm1 =	vlt.f32 v16, v27;
	v22 =	vperm.xlane v14, v3  }
0x76: {  	v25 =	vadd.s32 v24, v20;
	v20 =	vsub.f32 v17, v19;
	v26 =	vmax.f32 v23, v26  }
0x77: {  	v54 =	vsel vm1, $0x1, v4;
	v14 =	vmax.f32 v14, v22;
	v50 =	vperm.xlane v26, v3  }
0x78: {  	v22 =	vsub.f32 v15, v19;
	v23 =	vsel vm2, $0x1, v4;
	vm3 =	veq.f32 v12, v14  }
0x79: {  	vm10 =	veq.f32 v13, v14;
	vm11 =	veq.f32 v11, v14;
	v24 =	vmax.f32 v26, v50  }
0x7a: {  	v23 =	vadd.s32 v23, v31;
	vm2 =	veq.f32 v47, v24;
	vm8 =	veq.f32 v28, v24  }
0x7b: {  	vm9 =	veq.f32 v30, v24;
	v31 =	vsel vm2, $0xFF800000, v47;
	vm2 =	veq.f32 v29, v24  }
0x7c: {  	v28 =	vsel vm8, $0xFF800000, v28;
	v30 =	vsel vm9, $0xFF800000, v30;
	v29 =	vsel vm2, $0xFF800000, v29  }
0x7d: {  	v52 =	vsel vm3, $0xFF800000, v12;
	v32 =	vmax.f32 v31, v28;
	v51 =	vmax.f32 v29, v30  }
0x7e: {  	v37 =	vsel vm10, $0xFF800000, v13;
	v26 =	vsub.f32 v18, v19;
	v32 =	vmax.f32 v32, v51  }
0x7f: {  	v38 =	vsel vm11, $0xFF800000, v11;
	v19 =	vsub.f32 v16, v19;
	v36 =	vperm.xlane v32, v0  }
0x80: {  	v53 =	vmax.f32 v37, v38;
	v26 =	vmul.f32 $1.442695020e+00, v26;
	vm2 =	veq.f32 v10, v14  }
0x81: {  	v19 =	vmul.f32 $1.442695020e+00, v19;
	v35 =	vsel vm2, $0xFF800000, v10;
	v32 =	vmax.f32 v32, v36  }
0x82: {  	(erf) = vpow2.f32 v26;
	v39 =	vmax.f32 v52, v35;
	v26 =	vperm.xlane v32, v1  }
0x83: {  	vm1 =	vlt.f32 v15, v27;
	v20 =	vmul.f32 $1.442695020e+00, v20;
	v36 =	vmax.f32 v39, v53  }
0x84: {  	(erf) = vpow2.f32 v19;
	v19 =	vperm.xlane v36, v0;
	v26 =	vmax.f32 v32, v26  }
0x85: {  	v55 =	vadd.s32 v54, v21;
	v22 =	vmul.f32 $1.442695020e+00, v22;
	v27 =	vperm.xlane v26, v2  }
0x86: {  	(erf) = vpow2.f32 v20;
	v20 =	vsel vm1, $0x1, v4;
	v19 =	vmax.f32 v36, v19  }
0x87: {  	(erf) = vpow2.f32 v22;
	v21 =	vperm.xlane v19, v1;
	v26 =	vmax.f32 v26, v27  }
0x88: {  	v27 =	vadd.s32 v20, v49;
	v20 =	vperm.xlane v26, v3  }
0x89: {  	vm12 =	vlt.f32 v13, v14;
	vm6 =	veq.f32 v28, $-Inf;
	v19 =	vmax.f32 v19, v21  }
0x8a: {  	vm1 =	vlt.f32 v12, v14;
	v22 =	vperm.xlane v19, v2;
	v26 =	vmax.f32 v26, v20  }
0x8b: {  	v56 =	vsel vm1, $0x1, v4;
	vm1 =	veq.f32 v31, $-Inf;
	vm2 =	veq.f32 v31, v26  }
0x8c: {  	v19 =	vmax.f32 v19, v22;
	vm3 =	veq.f32 v28, v26;
	vm4 =	vmor vm1, vm2  }
0x8d: {  	v20 =	vpop (erf);
	vm1 =	vmor vm6, vm3;
	vm2 =	veq.f32 v29, $-Inf;
	vm3 =	veq.f32 v29, v26  }
0x8e: {  	v28 =	vpop (erf);
	vm3 =	vmor vm2, vm3;
	vm2 =	veq.f32 v30, v26;
	v26 =	vperm.xlane v19, v3  }
0x8f: {  	vm13 =	veq.f32 v30, $-Inf;
	v21 =	vnsel vm4, $0x0, v20;
	v20 =	vnsel vm1, $0x0, v28;
	v22 =	vpop (erf)  }
0x90: {  	vm2 =	vmor vm13, vm2;
	v28 =	vadd.f32 v20, v21;
	v29 =	vpop (erf);
	v19 =	vmax.f32 v19, v26  }
0x91: {  	v22 =	vnsel vm3, $0x0, v22;
	v29 =	vnsel vm2, $0x0, v29;
	vm7 =	veq.f32 v52, v19  }
0x92: {  	vm8 =	veq.f32 v35, v19;
	vm9 =	veq.f32 v37, v19;
	v28 =	vadd.f32 v28, v22  }
0x93: {  	vm11 =	veq.f32 v38, v19;
	v57 =	vsel vm8, $0xFF800000, v35;
	v58 =	vsel vm9, $0xFF800000, v37  }
0x94: {  	v59 =	vsel vm11, $0xFF800000, v38;
	v26 =	vadd.f32 v28, v29;
	v28 =	vsel vm7, $0xFF800000, v52  }
0x95: {  	vm14 =	vlt.f32 v10, v14;
	v38 =	vmax.f32 v58, v59;
	v60 =	vmax.f32 v28, v57  }
0x96: {  	vm15 =	vlt.f32 v11, v14;
	v31 =	vperm.xlane v26, v0;
	v37 =	vmax.f32 v60, v38  }
0x97: {  	v30 =	vsel vm12, $0x1, v4;
	vm12 =	vlt.f32 v18, v24;
	v18 =	vperm.xlane v37, v0  }
0x98: {  	v61 =	vsel vm15, $0x1, v4;
	vm5 =	vlt.f32 v15, v24;
	v26 =	vadd.f32 v26, v31  }
0x99: {  	v51 =	vsel vm5, $0x1, v4;
	vm13 =	vlt.f32 v17, v24;
	v18 =	vmax.f32 v37, v18  }
0x9a: {  	v42 =	vsel vm12, $0x1, v4;
	v62 =	vperm.xlane v26, v1;
	v37 =	vperm.xlane v18, v1  }
0x9b: {  	v27 =	vadd.s32 v51, v27;
	v43 =	vsel vm13, $0x1, v4;
	v25 =	vadd.s32 v42, v25  }
0x9c: {  	vm15 =	vlt.f32 v13, v19;
	v26 =	vadd.f32 v26, v62;
	v18 =	vmax.f32 v18, v37  }
0x9d: {  	vm10 =	vlt.f32 v11, v19;
	v23 =	vadd.s32 v43, v23;
	v37 =	vperm.xlane v18, v2  }
0x9e: {  	v46 =	vadd.s32 $0xFFFFFFFC, v25;
	v63 =	vsel vm15, $0x1, v4;
	v40 =	vperm.xlane v26, v2  }
0x9f: {  	vm9 =	vlt.f32 v10, v19;
	vm11 =	vlt.f32 v16, v24;
	v18 =	vmax.f32 v18, v37  }
0xa0: {  	v49 =	vadd.s32 $0xFFFFFFFC, v23;
	v26 =	vadd.f32 v26, v40;
	v16 =	vperm.xlane v18, v3  }
0xa1: {  	v50 =	vmin.u32 v46, v25;
	v34 =	vmin.u32 v49, v23;
	v31 =	vsel vm14, $0x1, v4  }
0xa2: {  	vm14 =	vlt.f32 v12, v19;
	v44 =	vperm.xlane v26, v3;
	v15 =	vmax.f32 v18, v16  }
0xa3: {  	v35 =	vsub.s32 $0x3, v50;
	v17 =	vsel vm14, $0x1, v4;
	vm12 =	veq.f32 v28, v15  }
0xa4: {  	vm13 =	veq.f32 v57, v15;
	vm14 =	veq.f32 v58, v15;
	v26 =	vadd.f32 v26, v44  }
0xa5: {  	vm15 =	veq.f32 v59, v15;
	v16 =	vsel vm12, $0xFF800000, v28;
	v18 =	vsel vm13, $0xFF800000, v57  }
0xa6: {  	v24 =	vsel vm14, $0xFF800000, v58;
	(erf) = vrcp.f32 v26;
	v26 =	vsel vm15, $0xFF800000, v59  }
0xa7: {  	v34 =	vsub.s32 $0x3, v34;
	v47 =	vmax.f32 v16, v18;
	v48 =	vmax.f32 v24, v26  }
0xa8: {  	v35 =	vmul.u32 $0x6, v35;
	v34 =	vmul.u32 $0x6, v34;
	v32 =	vmax.f32 v47, v48  }
0xa9: {  	v30 =	vadd.s32 v30, v63;
	v41 =	vsel vm9, $0x1, v4;
	v52 =	vperm.xlane v32, v0  }
0xaa: {  	v45 =	vsel vm11, $0x1, v4;
	v35 =	vshll.u32 v5, v35;
	v34 =	vshll.u32 v7, v34  }
0xab: {  	vm11 =	vlt.f32 v12, v15;
	vm12 =	vlt.f32 v13, v15;
	v32 =	vmax.f32 v32, v52  }
0xac: {  	vm13 =	vlt.f32 v10, v15;
	vm14 =	vlt.f32 v11, v15;
	v15 =	vperm.xlane v32, v1  }
0xad: {  	v35 =	vnsel vm4, $0x0, v35;
	v19 =	vsel vm10, $0x1, v4;
	v34 =	vnsel vm3, $0x0, v34  }
0xae: {  	vm3 =	vlt.u32 v25, $0x4;
	v31 =	vadd.s32 v31, v41;
	v15 =	vmax.f32 v32, v15  }
0xaf: {  	v19 =	vadd.s32 v61, v19;
	v17 =	vadd.s32 v56, v17;
	v58 =	vperm.xlane v15, v2  }
0xb0: {  	v28 =	vadd.s32 v45, v55;
	v53 =	vsel vm11, $0x1, v4;
	v45 =	vnsel vm3, $0x0, v35  }
0xb1: {  	v54 =	vsel vm12, $0x1, v4;
	v17 =	vadd.s32 v53, v17;
	v15 =	vmax.f32 v15, v58  }
0xb2: {  	v55 =	vsel vm13, $0x1, v4;
	v56 =	vsel vm14, $0x1, v4;
	v60 =	vperm.xlane v15, v3  }
0xb3: {  	v57 =	vadd.s32 $0xFFFFFFFC, v28;
	v30 =	vadd.s32 v54, v30;
	v31 =	vadd.s32 v55, v31  }
0xb4: {  	v19 =	vadd.s32 v56, v19;
	v59 =	vadd.s32 $0xFFFFFFFC, v27;
	v15 =	vmax.f32 v15, v60  }
0xb5: {  	v36 =	vmin.u32 v59, v27;
	vm15 =	veq.f32 v16, v15;
	vm9 =	veq.f32 v18, v15  }
0xb6: {  	vm10 =	veq.f32 v24, v15;
	vm11 =	veq.f32 v26, v15;
	v16 =	vsel vm15, $0xFF800000, v16  }
0xb7: {  	v18 =	vsel vm9, $0xFF800000, v18;
	v24 =	vsel vm10, $0xFF800000, v24;
	v26 =	vsel vm11, $0xFF800000, v26  }
0xb8: {  	v36 =	vsub.s32 $0x3, v36;
	v61 =	vmax.f32 v16, v18;
	v62 =	vmax.f32 v24, v26  }
0xb9: {  	v36 =	vmul.u32 $0x6, v36;
	v32 =	vmin.u32 v57, v28;
	v33 =	vpop (erf);
	v37 =	vmax.f32 v61, v62  }
0xba: {  	v32 =	vsub.s32 $0x3, v32;
	v29 =	vmul.f32 v33, v29;
	v42 =	vperm.xlane v37, v0  }
0xbb: {  	v32 =	vmul.u32 $0x6, v32;
	vm12 =	vlt.f32 v12, v15;
	vm13 =	vlt.f32 v13, v15  }
0xbc: {  	vm14 =	vlt.f32 v10, v15;
	v63 =	vsel vm12, $0x1, v4;
	v37 =	vmax.f32 v37, v42  }
0xbd: {  	vm15 =	vlt.f32 v11, v15;
	v15 =	vsel vm14, $0x1, v4;
	v39 =	vperm.xlane v37, v1  }
0xbe: {  	v43 =	vsel vm13, $0x1, v4;
	v44 =	vsel vm15, $0x1, v4;
	v15 =	vadd.s32 v15, v31  }
0xbf: {  	v31 =	vadd.s32 v44, v19;
	v19 =	vshll.u32 v6, v32;
	v25 =	vmax.f32 v37, v39  }
0xc0: {  	v19 =	vnsel vm1, $0x0, v19;
	vm1 =	vlt.u32 v23, $0x4;
	v23 =	vperm.xlane v25, v2  }
0xc1: {  	v17 =	vadd.s32 v63, v17;
	v30 =	vadd.s32 v43, v30;
	v46 =	vnsel vm1, $0x0, v34  }
0xc2: {  	vm1 =	vlt.u32 v28, $0x4;
	v28 =	vshll.u32 v8, v36;
	v23 =	vmax.f32 v25, v23  }
0xc3: {  	v47 =	vnsel vm1, $0x0, v19;
	v48 =	vadd.s32 v45, v46;
	v49 =	vperm.xlane v23, v3  }
0xc4: {  	v28 =	vnsel vm2, $0x0, v28;
	vm1 =	vlt.u32 v27, $0x4;
	v27 =	vadd.s32 v47, v45  }
0xc5: {  	v50 =	vadd.s32 v47, v48;
	v51 =	vnsel vm1, $0x0, v28;
	v23 =	vmax.f32 v23, v49  }
0xc6: {  	v27 =	vadd.s32 v46, v27;
	v25 =	vadd.s32 v34, v35;
	vm1 =	veq.f32 v16, v23  }
0xc7: {  	vm2 =	veq.f32 v18, v23;
	vm3 =	veq.f32 v26, v23;
	v52 =	vsel vm1, $0xFF800000, v16  }
0xc8: {  	vm1 =	veq.f32 v24, v23;
	v53 =	vsel vm2, $0xFF800000, v18;
	v54 =	vsel vm3, $0xFF800000, v26  }
0xc9: {  	v16 =	vadd.s32 v19, v25;
	v25 =	vsub.s32 v28, v51;
	v24 =	vsel vm1, $0xFF800000, v24  }
0xca: {  	vm2 =	vlt.f32 v13, v23;
	v18 =	vmax.f32 v52, v53;
	v19 =	vmax.f32 v24, v54  }
0xcb: {  	v16 =	vsub.s32 v16, v50;
	vm1 =	vlt.f32 v12, v23;
	v18 =	vmax.f32 v18, v19  }
0xcc: {  	v28 =	vsel vm2, $0x1, v4;
	v26 =	vsel vm1, $0x1, v4;
	v19 =	vperm.xlane v18, v0  }
0xcd: {  	[tilespmem:s11+$0x8030] =	vst v29;
	vm1 =	vlt.f32 v10, v23;
	v29 =	vadd.s32 v28, v30;
	v25 =	vadd.s32 v25, v16  }
0xce: {  	v55 =	vadd.s32 v26, v17;
	v17 =	vsel vm1, $0x1, v4;
	v19 =	vmax.f32 v18, v19  }
0xcf: {  	s13 =	simm.s32 $0x100;
	vm1 =	vlt.f32 v11, v23;
	v23 =	vadd.s32 v51, v27;
	v26 =	vperm.xlane v19, v1  }
0xd0: {  	v16 =	vld [tilespmem:s13+$0x10];
	v27 =	vperm.xlane v25, v0;
	v15 =	vadd.s32 v17, v15;
	v17 =	vsel vm1, $0x1, v4  }
0xd1: {  	v28 =	vperm.xlane v23, v0;
	v31 =	vadd.s32 v17, v31;
	v17 =	vld [tilespmem:s13+$0x30];
	v26 =	vmax.f32 v19, v26  }
0xd2: {  	v25 =	vadd.s32 v27, v25;
	v18 =	vld [tilespmem:s13+$0x0];
	v30 =	vperm.xlane v26, v2  }
0xd3: {  	v23 =	vadd.s32 v28, v23;
	v27 =	vperm.xlane v25, v1;
	v19 =	vld [tilespmem:s13+$0x20]  }
0xd4: {  	v56 =	vmul.f32 v33, v21;
	v21 =	vmax.f32 v26, v30;
	v26 =	vperm.xlane v23, v1  }
0xd5: {  	v20 =	vmul.f32 v33, v20;
	v57 =	vadd.s32 v27, v25;
	v28 =	vperm.xlane v21, v3  }
0xd6: {  	v33 =	vmul.f32 v33, v22;
	v40 =	vperm.xlane v57, v2;
	v58 =	vadd.s32 v26, v23  }
0xd7: {  	v22 =	vmax.f32 v18, v16;
	v25 =	vmax.f32 v21, v28;
	v41 =	vperm.xlane v58, v2  }
0xd8: {  	v21 =	vmax.f32 v19, v17;
	vm1 =	veq.f32 v52, v25;
	vm2 =	veq.f32 v53, v25  }
0xd9: {  	vm3 =	veq.f32 v54, v25;
	v30 =	vsel vm1, $0xFF800000, v52;
	vm1 =	veq.f32 v24, v25  }
0xda: {  	v26 =	vsel vm2, $0xFF800000, v53;
	v28 =	vsel vm3, $0xFF800000, v54;
	v27 =	vsel vm1, $0xFF800000, v24  }
0xdb: {  	v21 =	vmax.f32 v22, v21;
	v22 =	vmax.f32 v30, v26;
	v23 =	vmax.f32 v27, v28  }
0xdc: {  	v24 =	vperm.xlane v21, v0;
	vm1 =	vlt.f32 v12, v25;
	v22 =	vmax.f32 v22, v23  }
0xdd: {  	v59 =	vsel vm1, $0x1, v4;
	vm1 =	vlt.f32 v13, v25;
	v23 =	vperm.xlane v22, v0  }
0xde: {  	vm2 =	vlt.f32 v10, v25;
	v21 =	vmax.f32 v21, v24;
	v24 =	vsel vm1, $0x1, v4  }
0xdf: {  	vm1 =	vlt.f32 v11, v25;
	v61 =	vperm.xlane v21, v1;
	v60 =	vmax.f32 v22, v23  }
0xe0: {  	v23 =	vadd.s32 v59, v55;
	v22 =	vadd.s32 v24, v29;
	v62 =	vperm.xlane v60, v1  }
0xe1: {  	v24 =	vsel vm2, $0x1, v4;
	v63 =	vmax.f32 v21, v61;
	v29 =	vadd.s32 v40, v57  }
0xe2: {  	[tilespmem:s11+$0x8000] =	vst v56;
	v21 =	vadd.s32 v24, v15;
	v15 =	vperm.xlane v63, v2;
	v25 =	vmax.f32 v60, v62  }
0xe3: {  	[tilespmem:s11+$0x8020] =	vst v33;
	v24 =	vsel vm1, $0x1, v4;
	v33 =	vperm.xlane v29, v3;
	v32 =	vperm.xlane v25, v2  }
0xe4: {  	s14 =	simm.s32 $0x600;
	[tilespmem:s11+$0x8010] =	vst v20;
	v20 =	vadd.s32 v24, v31;
	v31 =	vmax.f32 v63, v15;
	v15 =	vadd.s32 v41, v58  }
.LBB2_2:
0xe5: {  	p0 =	sne.s32 s14, $0x1FE00;
	v34 =	vperm.xlane v31, v3;
	v32 =	vmax.f32 v25, v32;
	v25 =	vperm.xlane v15, v3  }
0xe6: {  	v35 =	vperm.xlane v32, v3;
	v24 =	vadd.s32 v33, v29  }
0xe7: {  	v33 =	vsub.f32 v13, v14;
	v31 =	vmax.f32 v31, v34;
	v34 =	vsub.f32 v11, v14  }
0xe8: {  	v29 =	vmax.f32 v32, v35;
	v32 =	vsub.f32 v12, v14;
	v35 =	vsub.f32 v10, v14;
	v14 =	vmovc v31  }
0xe9: {  	vm1 =	veq.f32 v18, v14;
	vm2 =	veq.f32 v30, v29;
	vm3 =	veq.f32 v26, v29  }
0xea: {  	vm4 =	veq.f32 v28, v29;
	v30 =	vsel vm2, $0xFF800000, v30;
	vm2 =	veq.f32 v27, v29  }
0xeb: {  	v26 =	vsel vm3, $0xFF800000, v26;
	v31 =	vsel vm4, $0xFF800000, v28;
	v27 =	vsel vm2, $0xFF800000, v27  }
0xec: {  	vm2 =	veq.f32 v16, v14;
	v28 =	vmax.f32 v30, v26;
	v36 =	vmax.f32 v27, v31  }
0xed: {  	vm3 =	veq.f32 v19, v14;
	vm4 =	veq.f32 v17, v14;
	v28 =	vmax.f32 v28, v36  }
0xee: {  	v37 =	vsel vm2, $0xFF800000, v16;
	v36 =	vsel vm1, $0xFF800000, v18;
	v38 =	vperm.xlane v28, v0  }
0xef: {  	v32 =	vmul.f32 $1.442695020e+00, v32;
	v39 =	vsel vm3, $0xFF800000, v19;
	v40 =	vsel vm4, $0xFF800000, v17  }
0xf0: {  	v35 =	vmul.f32 $1.442695020e+00, v35;
	v41 =	vmax.f32 v36, v37;
	v28 =	vmax.f32 v28, v38  }
0xf1: {  	v38 =	vmax.f32 v39, v40;
	v42 =	vperm.xlane v28, v1;
	(erf) = vpow2.f32 v32  }
0xf2: {  	v33 =	vmul.f32 $1.442695020e+00, v33;
	v32 =	vmax.f32 v41, v38;
	(erf) = vpow2.f32 v35  }
0xf3: {  	v34 =	vmul.f32 $1.442695020e+00, v34;
	v35 =	vperm.xlane v32, v0;
	v28 =	vmax.f32 v28, v42  }
0xf4: {  	vm1 =	vlt.f32 v18, v14;
	v38 =	vperm.xlane v28, v2;
	(erf) = vpow2.f32 v33  }
0xf5: {  	v32 =	vmax.f32 v32, v35;
	v33 =	vsel vm1, $0x1, v4;
	vm1 =	vlt.f32 v19, v14  }
0xf6: {  	v35 =	vperm.xlane v32, v1;
	v28 =	vmax.f32 v28, v38;
	(erf) = vpow2.f32 v34  }
0xf7: {  	vm2 =	vlt.f32 v16, v14;
	v34 =	vsel vm1, $0x1, v4;
	v38 =	vperm.xlane v28, v3  }
0xf8: {  	vm5 =	vlt.f32 v17, v14;
	v32 =	vmax.f32 v32, v35;
	v35 =	vsel vm2, $0x1, v4  }
0xf9: {  	vm1 =	veq.f32 v30, $-Inf;
	v41 =	vperm.xlane v32, v2;
	v38 =	vmax.f32 v28, v38  }
0xfa: {  	vm6 =	veq.f32 v26, $-Inf;
	vm2 =	veq.f32 v30, v38;
	vm4 =	veq.f32 v26, v38;
	v26 =	vpop (erf)  }
0xfb: {  	vm3 =	vmor vm1, vm2;
	vm1 =	vmor vm6, vm4;
	vm2 =	veq.f32 v27, $-Inf;
	v30 =	vpop (erf)  }
0xfc: {  	vm4 =	veq.f32 v27, v38;
	v28 =	vnsel vm3, $0x0, v26;
	v26 =	vnsel vm1, $0x0, v30  }
0xfd: {  	v30 =	vmax.f32 v32, v41;
	vm4 =	vmor vm2, vm4;
	v32 =	vadd.f32 v26, v28;
	v27 =	vpop (erf)  }
0xfe: {  	vm6 =	veq.f32 v31, $-Inf;
	vm2 =	veq.f32 v31, v38;
	v27 =	vnsel vm4, $0x0, v27  }
0xff: {  	v31 =	vperm.xlane v30, v3;
	vm2 =	vmor vm6, vm2;
	v32 =	vadd.f32 v32, v27;
	v38 =	vpop (erf)  }
0x100: {  	v41 =	vsel vm5, $0x1, v4;
	vm5 =	vlt.f32 v12, v29;
	v12 =	vmovc v18;
	v38 =	vnsel vm2, $0x0, v38  }
0x101: {  	vm6 =	vlt.f32 v13, v29;
	v13 =	vmovc v19;
	v18 =	vmax.f32 v30, v31;
	v30 =	vadd.f32 v32, v38  }
0x102: {  	vm7 =	veq.f32 v36, v18;
	vm8 =	veq.f32 v37, v18;
	vm9 =	veq.f32 v39, v18  }
0x103: {  	v19 =	vsel vm7, $0xFF800000, v36;
	vm7 =	veq.f32 v40, v18;
	v31 =	vperm.xlane v30, v0  }
0x104: {  	v32 =	vsel vm8, $0xFF800000, v37;
	v36 =	vsel vm9, $0xFF800000, v39;
	v37 =	vsel vm7, $0xFF800000, v40  }
0x105: {  	v39 =	vmax.f32 v19, v32;
	v40 =	vmax.f32 v36, v37;
	v30 =	vadd.f32 v30, v31  }
0x106: {  	vm8 =	vlt.f32 v13, v18;
	vm7 =	vlt.f32 v12, v18;
	v31 =	vmax.f32 v39, v40  }
0x107: {  	v40 =	vsel vm7, $0x1, v4;
	v39 =	vperm.xlane v31, v0;
	v42 =	vperm.xlane v30, v1  }
0x108: {  	vm7 =	vlt.f32 v16, v18;
	v33 =	vadd.s32 v33, v40;
	v40 =	vsel vm8, $0x1, v4  }
0x109: {  	v34 =	vadd.s32 v34, v40;
	v31 =	vmax.f32 v31, v39;
	v30 =	vadd.f32 v30, v42  }
0x10a: {  	v40 =	vsel vm7, $0x1, v4;
	vm7 =	vlt.f32 v17, v18;
	v39 =	vperm.xlane v31, v1  }
0x10b: {  	v18 =	vadd.s32 v35, v40;
	v35 =	vsel vm7, $0x1, v4;
	v40 =	vperm.xlane v30, v2  }
0x10c: {  	v35 =	vadd.s32 v41, v35;
	v31 =	vmax.f32 v31, v39;
	v39 =	vsel vm5, $0x1, v4  }
0x10d: {  	v41 =	vperm.xlane v31, v2;
	v30 =	vadd.f32 v30, v40;
	v40 =	vsel vm6, $0x1, v4  }
0x10e: {  	vm5 =	vlt.f32 v10, v29;
	v10 =	vmovc v16;
	v23 =	vadd.s32 v39, v23;
	v22 =	vadd.s32 v40, v22  }
0x10f: {  	v39 =	vsel vm5, $0x1, v4;
	v16 =	vmax.f32 v31, v41;
	v31 =	vperm.xlane v30, v3  }
0x110: {  	vm5 =	vlt.f32 v11, v29;
	v11 =	vmovc v17;
	v41 =	vadd.s32 $0xFFFFFFFC, v23;
	v40 =	vperm.xlane v16, v3  }
0x111: {  	v21 =	vadd.s32 v39, v21;
	v29 =	vadd.s32 $0xFFFFFFFC, v22;
	v17 =	vadd.f32 v30, v31  }
0x112: {  	v16 =	vmax.f32 v16, v40;
	v30 =	vmin.u32 v41, v23;
	v31 =	vsel vm5, $0x1, v4  }
0x113: {  	vm5 =	veq.f32 v19, v16;
	vm6 =	veq.f32 v32, v16;
	(erf) = vrcp.f32 v17  }
0x114: {  	vm7 =	veq.f32 v37, v16;
	v17 =	vsel vm5, $0xFF800000, v19;
	vm5 =	veq.f32 v36, v16  }
0x115: {  	v19 =	vsel vm6, $0xFF800000, v32;
	v32 =	vsel vm5, $0xFF800000, v36;
	v36 =	vsel vm7, $0xFF800000, v37  }
0x116: {  	v37 =	vmax.f32 v17, v19;
	vm5 =	vlt.f32 v12, v16;
	v39 =	vmax.f32 v32, v36  }
0x117: {  	v37 =	vmax.f32 v37, v39;
	v39 =	vsel vm5, $0x1, v4;
	vm5 =	vlt.f32 v13, v16  }
0x118: {  	vm6 =	vlt.f32 v10, v16;
	v40 =	vperm.xlane v37, v0;
	v41 =	vsel vm5, $0x1, v4  }
0x119: {  	v33 =	vadd.s32 v39, v33;
	v39 =	vsel vm6, $0x1, v4;
	v34 =	vadd.s32 v41, v34  }
0x11a: {  	vm5 =	vlt.f32 v11, v16;
	v18 =	vadd.s32 v39, v18;
	v37 =	vmax.f32 v37, v40  }
0x11b: {  	v29 =	vmin.u32 v29, v22;
	v39 =	vsel vm5, $0x1, v4;
	v16 =	vperm.xlane v37, v1  }
0x11c: {  	v31 =	vadd.s32 v31, v20;
	v35 =	vadd.s32 v39, v35;
	v39 =	vadd.s32 $0xFFFFFFFC, v21;
	v20 =	vpop (erf)  }
0x11d: {  	v30 =	vsub.s32 $0x3, v30;
	v16 =	vmax.f32 v37, v16;
	v37 =	vmul.f32 v20, v38  }
0x11e: {  	v29 =	vsub.s32 $0x3, v29;
	v39 =	vmin.u32 v39, v21;
	v38 =	vperm.xlane v16, v2  }
0x11f: {  	v29 =	vmul.u32 $0x6, v29;
	v30 =	vmul.u32 $0x6, v30;
	[tilespmem:s12+$0x8030] =	vst v37;
	v37 =	vadd.s32 $0xFFFFFFFC, v31  }
0x120: {  	v16 =	vmax.f32 v16, v38;
	v38 =	vsub.s32 $0x3, v39;
	v37 =	vmin.u32 v37, v31  }
0x121: {  	v39 =	vperm.xlane v16, v3;
	v38 =	vmul.u32 $0x6, v38;
	v37 =	vsub.s32 $0x3, v37  }
0x122: {  	v29 =	vshll.u32 v7, v29;
	v30 =	vshll.u32 v5, v30;
	v37 =	vmul.u32 $0x6, v37  }
0x123: {  	v29 =	vnsel vm4, $0x0, v29;
	v30 =	vnsel vm3, $0x0, v30;
	v16 =	vmax.f32 v16, v39  }
0x124: {  	vm3 =	veq.f32 v17, v16;
	vm4 =	veq.f32 v19, v16;
	vm5 =	vlt.f32 v12, v16  }
0x125: {  	vm6 =	veq.f32 v36, v16;
	v17 =	vsel vm3, $0xFF800000, v17;
	vm3 =	veq.f32 v32, v16  }
0x126: {  	v19 =	vsel vm4, $0xFF800000, v19;
	v36 =	vsel vm6, $0xFF800000, v36;
	v32 =	vsel vm3, $0xFF800000, v32  }
0x127: {  	v39 =	vmax.f32 v17, v19;
	vm3 =	vlt.f32 v13, v16;
	v40 =	vmax.f32 v32, v36  }
0x128: {  	v41 =	vsel vm3, $0x1, v4;
	v39 =	vmax.f32 v39, v40;
	v40 =	vsel vm5, $0x1, v4  }
0x129: {  	vm3 =	vlt.f32 v10, v16;
	v42 =	vperm.xlane v39, v0;
	v33 =	vadd.s32 v40, v33  }
0x12a: {  	v34 =	vadd.s32 v41, v34;
	v40 =	vsel vm3, $0x1, v4;
	vm3 =	vlt.f32 v11, v16  }
0x12b: {  	v18 =	vadd.s32 v40, v18;
	v16 =	vmax.f32 v39, v42;
	v39 =	vsel vm3, $0x1, v4  }
0x12c: {  	v38 =	vshll.u32 v6, v38;
	v40 =	vperm.xlane v16, v1;
	v35 =	vadd.s32 v39, v35  }
0x12d: {  	vm3 =	vlt.u32 v23, $0x4;
	v23 =	vnsel vm1, $0x0, v38;
	vm1 =	vlt.u32 v22, $0x4  }
0x12e: {  	v22 =	vnsel vm3, $0x0, v30;
	v38 =	vnsel vm1, $0x0, v29;
	v16 =	vmax.f32 v16, v40  }
0x12f: {  	vm1 =	vlt.u32 v21, $0x4;
	v21 =	vshll.u32 v8, v37;
	v39 =	vperm.xlane v16, v2  }
0x130: {  	v29 =	vadd.s32 v29, v30;
	v37 =	vnsel vm1, $0x0, v23;
	v30 =	vadd.s32 v22, v38  }
0x131: {  	v21 =	vnsel vm2, $0x0, v21;
	vm1 =	vlt.u32 v31, $0x4;
	v16 =	vmax.f32 v16, v39  }
0x132: {  	v22 =	vadd.s32 v37, v22;
	v30 =	vadd.s32 v37, v30;
	v31 =	vperm.xlane v16, v3  }
0x133: {  	v23 =	vadd.s32 v23, v29;
	v37 =	vnsel vm1, $0x0, v21;
	v22 =	vadd.s32 v38, v22  }
0x134: {  	v21 =	vsub.s32 v21, v37;
	v23 =	vsub.s32 v23, v30;
	v16 =	vmax.f32 v16, v31  }
0x135: {  	vm1 =	veq.f32 v17, v16;
	vm2 =	veq.f32 v19, v16;
	vm3 =	vlt.f32 v12, v16  }
0x136: {  	vm4 =	veq.f32 v36, v16;
	v29 =	vsel vm1, $0xFF800000, v17;
	vm1 =	veq.f32 v32, v16  }
0x137: {  	v31 =	vsel vm2, $0xFF800000, v19;
	v36 =	vsel vm4, $0xFF800000, v36;
	v32 =	vsel vm1, $0xFF800000, v32  }
0x138: {  	v17 =	vmax.f32 v29, v31;
	vm1 =	vlt.f32 v13, v16;
	v19 =	vmax.f32 v32, v36  }
0x139: {  	v30 =	vsel vm1, $0x1, v4;
	v17 =	vmax.f32 v17, v19;
	v19 =	vsel vm3, $0x1, v4  }
0x13a: {  	vm1 =	vlt.f32 v10, v16;
	v38 =	vperm.xlane v17, v0;
	v33 =	vadd.s32 v19, v33  }
0x13b: {  	v34 =	vadd.s32 v30, v34;
	v19 =	vsel vm1, $0x1, v4;
	vm1 =	vlt.f32 v11, v16  }
0x13c: {  	v16 =	vsel vm1, $0x1, v4;
	v17 =	vmax.f32 v17, v38;
	v38 =	vadd.s32 v19, v18  }
0x13d: {  	s15 =	sshra.s32 s14, $0x2;
	v21 =	vadd.s32 v21, v23;
	v35 =	vadd.s32 v16, v35;
	v19 =	vperm.xlane v17, v1  }
0x13e: {  	v15 =	vadd.s32 v25, v15;
	v22 =	vadd.s32 v37, v22;
	v23 =	vperm.xlane v21, v0;
	v18 =	vld [tilespmem:s15+$0x0]  }
0x13f: {  	v15 =	vsel vm0, v15, v24;
	v30 =	vperm.xlane v22, v0;
	v25 =	vmax.f32 v17, v19;
	v16 =	vld [tilespmem:s15+$0x10]  }
0x140: {  	v28 =	vmul.f32 v20, v28;
	v21 =	vadd.s32 v23, v21;
	v24 =	vperm.xlane v25, v2;
	v19 =	vld [tilespmem:s15+$0x20]  }
0x141: {  	v23 =	vmul.f32 v20, v26;
	v26 =	vperm.xlane v21, v1;
	v22 =	vadd.s32 v30, v22;
	v17 =	vld [tilespmem:s15+$0x30]  }
0x142: {  	v20 =	vmul.f32 v20, v27;
	v24 =	vmax.f32 v25, v24;
	v25 =	vperm.xlane v22, v1;
	[tilespmem:s12+$0x8000] =	vst v28  }
0x143: {  	v15 =	vshra.s32 v15, v9;
	v37 =	vadd.s32 v26, v21;
	v27 =	vperm.xlane v24, v3;
	[tilespmem:s12+$0x8010] =	vst v23  }
0x144: {  	v15 =	vand.u32 $0x3F, v15;
	v40 =	vperm.xlane v37, v2;
	v39 =	vadd.s32 v25, v22;
	[tilespmem:s12+$0x8020] =	vst v20  }
0x145: {  	v20 =	vmax.f32 v18, v16;
	v24 =	vmax.f32 v24, v27;
	v41 =	vperm.xlane v39, v2;
	[tilespmem:s11+$0x10000] =	vst v15;
	s11 =	smov.u32 s12;
	s12 =	smov.u32 s13;
	s13 =	smov.u32 s15  }
0x146: {  	vm1 =	veq.f32 v29, v24;
	vm2 =	veq.f32 v31, v24;
	v15 =	vmax.f32 v19, v17  }
0x147: {  	vm3 =	veq.f32 v36, v24;
	v30 =	vsel vm1, $0xFF800000, v29;
	vm1 =	veq.f32 v32, v24  }
0x148: {  	v26 =	vsel vm2, $0xFF800000, v31;
	v28 =	vsel vm3, $0xFF800000, v36;
	v27 =	vsel vm1, $0xFF800000, v32  }
0x149: {  	v15 =	vmax.f32 v20, v15;
	v20 =	vmax.f32 v30, v26;
	v21 =	vmax.f32 v27, v28  }
0x14a: {  	vm1 =	vlt.f32 v12, v24;
	v22 =	vperm.xlane v15, v0;
	v20 =	vmax.f32 v20, v21  }
0x14b: {  	v23 =	vsel vm1, $0x1, v4;
	vm1 =	vlt.f32 v13, v24;
	v21 =	vperm.xlane v20, v0  }
0x14c: {  	vm2 =	vlt.f32 v10, v24;
	v15 =	vmax.f32 v15, v22;
	v22 =	vsel vm1, $0x1, v4  }
0x14d: {  	v23 =	vadd.s32 v23, v33;
	v25 =	vperm.xlane v15, v1;
	v20 =	vmax.f32 v20, v21  }
.Ltmp0:
0x14e: {  	v22 =	vadd.s32 v22, v34;
	v21 =	vsel vm2, $0x1, v4;
	v29 =	vperm.xlane v20, v1;
	(pc) =	sbr.rel @p0 .LBB2_2-.Ltmp0, $4  }
0x14f: {  	vm1 =	vlt.f32 v11, v24;
	v15 =	vmax.f32 v15, v25;
	v21 =	vadd.s32 v21, v38  }
0x150: {  	v24 =	vperm.xlane v15, v2;
	v25 =	vmax.f32 v20, v29;
	v20 =	vsel vm1, $0x1, v4  }
0x151: {  	v29 =	vadd.s32 v40, v37;
	v32 =	vperm.xlane v25, v2;
	v20 =	vadd.s32 v20, v35  }
0x152: {  	s14 =	sadd.s32 $0x200, s14;
	v31 =	vmax.f32 v15, v24;
	v15 =	vadd.s32 v41, v39;
	v33 =	vperm.xlane v29, v3  }
0x153: {  	v24 =	vperm.xlane v31, v3;
	_ =	sdelay $0x1  }
0x154: {  	v24 =	vmax.f32 v31, v24  }
0x155: {  	vm1 =	veq.f32 v18, v24;
	vm2 =	veq.f32 v16, v24  }
0x156: {  	vm3 =	veq.f32 v19, v24;
	vm4 =	veq.f32 v17, v24;
	v34 =	vsel vm1, $0xFF800000, v18  }
0x157: {  	v35 =	vsel vm2, $0xFF800000, v16;
	v36 =	vsel vm3, $0xFF800000, v19;
	v37 =	vsel vm4, $0xFF800000, v17  }
0x158: {  	v52 =	vmax.f32 v34, v35;
	v38 =	vmax.f32 v36, v37  }
0x159: {  	v31 =	vmax.f32 v52, v38  }
0x15a: {  	v38 =	vperm.xlane v31, v0;
	_ =	sdelay $0x1  }
0x15b: {  	v31 =	vmax.f32 v31, v38  }
0x15c: {  	v38 =	vperm.xlane v31, v1;
	_ =	sdelay $0x1  }
0x15d: {  	v31 =	vmax.f32 v31, v38  }
0x15e: {  	v38 =	vperm.xlane v31, v2;
	_ =	sdelay $0x1  }
0x15f: {  	v31 =	vmax.f32 v31, v38  }
0x160: {  	v38 =	vperm.xlane v31, v3;
	_ =	sdelay $0x1  }
0x161: {  	v31 =	vmax.f32 v31, v38  }
0x162: {  	vm1 =	veq.f32 v34, v31;
	vm2 =	veq.f32 v35, v31  }
0x163: {  	vm3 =	veq.f32 v36, v31;
	v34 =	vsel vm1, $0xFF800000, v34;
	vm1 =	veq.f32 v37, v31  }
0x164: {  	v35 =	vsel vm2, $0xFF800000, v35;
	v36 =	vsel vm3, $0xFF800000, v36;
	v37 =	vsel vm1, $0xFF800000, v37  }
0x165: {  	v53 =	vmax.f32 v34, v35;
	v39 =	vmax.f32 v36, v37  }
0x166: {  	v38 =	vmax.f32 v53, v39  }
0x167: {  	v39 =	vperm.xlane v38, v0;
	_ =	sdelay $0x1  }
0x168: {  	v25 =	vmax.f32 v25, v32;
	v38 =	vmax.f32 v38, v39  }
0x169: {  	v61 =	vsub.f32 v12, v14;
	v55 =	vperm.xlane v25, v3;
	v54 =	vperm.xlane v38, v1  }
0x16a: {  	v63 =	vsub.f32 v10, v14;
	v43 =	vsub.f32 v13, v14  }
0x16b: {  	v47 =	vsub.f32 v11, v14;
	v32 =	vmax.f32 v25, v55;
	v38 =	vmax.f32 v38, v54  }
0x16c: {  	v48 =	vmul.f32 $1.442695020e+00, v43;
	vm2 =	veq.f32 v26, v32;
	v56 =	vperm.xlane v38, v2  }
0x16d: {  	vm3 =	veq.f32 v28, v32;
	vm1 =	veq.f32 v30, v32;
	v26 =	vsel vm2, $0xFF800000, v26  }
0x16e: {  	v30 =	vsel vm1, $0xFF800000, v30;
	vm1 =	veq.f32 v27, v32;
	v25 =	vmax.f32 v38, v56  }
0x16f: {  	v27 =	vsel vm1, $0xFF800000, v27;
	v39 =	vsel vm3, $0xFF800000, v28;
	v38 =	vperm.xlane v25, v3  }
0x170: {  	v14 =	vmul.f32 $1.442695020e+00, v47;
	v40 =	vmax.f32 v30, v26;
	v41 =	vmax.f32 v27, v39  }
0x171: {  	vm5 =	vlt.f32 v18, v24;
	v57 =	vmax.f32 v40, v41;
	v28 =	vmax.f32 v25, v38  }
0x172: {  	v58 =	vperm.xlane v57, v0;
	vm1 =	veq.f32 v34, v28;
	vm2 =	veq.f32 v35, v28  }
0x173: {  	vm3 =	veq.f32 v37, v28;
	v34 =	vsel vm1, $0xFF800000, v34;
	vm1 =	veq.f32 v36, v28  }
0x174: {  	v35 =	vsel vm2, $0xFF800000, v35;
	v37 =	vsel vm3, $0xFF800000, v37;
	v36 =	vsel vm1, $0xFF800000, v36  }
0x175: {  	v25 =	vmax.f32 v57, v58;
	v59 =	vmax.f32 v34, v35;
	v60 =	vmax.f32 v36, v37  }
0x176: {  	vm12 =	vlt.f32 v19, v24;
	v42 =	vperm.xlane v25, v1;
	v40 =	vmax.f32 v59, v60  }
0x177: {  	vm14 =	vlt.f32 v17, v24;
	v41 =	vmul.f32 $1.442695020e+00, v61;
	v62 =	vperm.xlane v40, v0  }
0x178: {  	vm13 =	vlt.f32 v16, v24;
	v44 =	vsel vm14, $0x1, v4;
	v25 =	vmax.f32 v25, v42  }
0x179: {  	(erf) = vpow2.f32 v41;
	v46 =	vperm.xlane v25, v2;
	v38 =	vmax.f32 v40, v62  }
0x17a: {  	vm15 =	vlt.f32 v18, v31;
	vm8 =	vlt.f32 v19, v31;
	v45 =	vperm.xlane v38, v1  }
0x17b: {  	vm9 =	veq.f32 v26, $-Inf;
	vm11 =	veq.f32 v39, $-Inf;
	v25 =	vmax.f32 v25, v46  }
0x17c: {  	v50 =	vperm.xlane v25, v3;
	v40 =	vmul.f32 $1.442695020e+00, v63;
	v38 =	vmax.f32 v38, v45  }
0x17d: {  	v63 =	vsel vm5, $0x1, v4;
	vm5 =	vlt.f32 v12, v32;
	v49 =	vperm.xlane v38, v2  }
0x17e: {  	vm1 =	veq.f32 v30, $-Inf;
	v46 =	vsel vm5, $0x1, v4;
	(erf) = vpow2.f32 v40  }
0x17f: {  	v40 =	vmax.f32 v25, v50;
	v23 =	vadd.s32 v46, v23;
	v38 =	vmax.f32 v38, v49  }
0x180: {  	(erf) = vpow2.f32 v48;
	vm2 =	veq.f32 v30, v40;
	v51 =	vperm.xlane v38, v3  }
0x181: {  	vm3 =	veq.f32 v26, v40;
	vm10 =	veq.f32 v27, v40;
	v48 =	vsel vm12, $0x1, v4  }
0x182: {  	v52 =	vpop (erf);
	(erf) = vpow2.f32 v14;
	vm1 =	vmor vm1, vm2;
	v30 =	vmax.f32 v38, v51  }
0x183: {  	v26 =	vnsel vm1, $0x0, v52;
	vm2 =	veq.f32 v34, v30;
	vm6 =	veq.f32 v35, v30  }
0x184: {  	vm7 =	veq.f32 v37, v30;
	v34 =	vsel vm2, $0xFF800000, v34;
	vm2 =	veq.f32 v36, v30  }
0x185: {  	v35 =	vsel vm6, $0xFF800000, v35;
	v37 =	vsel vm7, $0xFF800000, v37;
	v36 =	vsel vm2, $0xFF800000, v36  }
0x186: {  	v49 =	vsel vm13, $0x1, v4;
	v53 =	vmax.f32 v34, v35;
	v54 =	vmax.f32 v36, v37  }
0x187: {  	vm6 =	vlt.f32 v13, v32;
	v13 =	vperm.xlane v15, v3;
	v56 =	vmax.f32 v53, v54  }
0x188: {  	v55 =	vpop (erf);
	vm2 =	vmor vm9, vm3;
	vm3 =	veq.f32 v27, $-Inf;
	v57 =	vperm.xlane v56, v0  }
0x189: {  	v27 =	vadd.s32 v33, v29;
	v47 =	vsel vm6, $0x1, v4;
	v25 =	vnsel vm2, $0x0, v55  }
0x18a: {  	v59 =	vpop (erf);
	vm4 =	vmor vm3, vm10;
	v58 =	vadd.f32 v25, v26;
	v38 =	vmax.f32 v56, v57  }
0x18b: {  	vm3 =	veq.f32 v39, v40;
	v14 =	vnsel vm4, $0x0, v59;
	v62 =	vperm.xlane v38, v1  }
0x18c: {  	v61 =	vpop (erf);
	vm10 =	vlt.f32 v10, v32;
	vm3 =	vmor vm11, vm3;
	v60 =	vadd.f32 v58, v14  }
0x18d: {  	v22 =	vadd.s32 v47, v22;
	v33 =	vnsel vm3, $0x0, v61;
	v38 =	vmax.f32 v38, v62  }
0x18e: {  	v13 =	vadd.s32 v13, v15;
	v39 =	vadd.f32 v60, v33;
	v41 =	vperm.xlane v38, v2  }
0x18f: {  	v54 =	vsel vm15, $0x1, v4;
	vm15 =	vlt.f32 v16, v31;
	vm11 =	vlt.f32 v11, v32  }
0x190: {  	v11 =	vsel vm10, $0x1, v4;
	v50 =	vperm.xlane v39, v0;
	v51 =	vmax.f32 v38, v41  }
0x191: {  	v13 =	vsel vm0, v13, v27;
	v29 =	vadd.s32 v63, v54;
	v53 =	vperm.xlane v51, v3  }
0x192: {  	v58 =	vsel vm15, $0x1, v4;
	v56 =	vsel vm8, $0x1, v4;
	v52 =	vadd.f32 v39, v50  }
0x193: {  	v38 =	vadd.s32 v49, v58;
	v49 =	vadd.s32 $0xFFFFFFFC, v23;
	v12 =	vmax.f32 v51, v53  }
0x194: {  	v55 =	vperm.xlane v52, v1;
	vm12 =	veq.f32 v34, v12;
	vm13 =	veq.f32 v35, v12  }
0x195: {  	vm14 =	veq.f32 v36, v12;
	vm9 =	veq.f32 v37, v12;
	v34 =	vsel vm12, $0xFF800000, v34  }
0x196: {  	v35 =	vsel vm13, $0xFF800000, v35;
	v36 =	vsel vm14, $0xFF800000, v36;
	v37 =	vsel vm9, $0xFF800000, v37  }
0x197: {  	v57 =	vadd.f32 v52, v55;
	v59 =	vmax.f32 v34, v35;
	v60 =	vmax.f32 v36, v37  }
0x198: {  	v40 =	vadd.s32 v48, v56;
	v32 =	vmin.u32 v49, v23;
	v61 =	vmax.f32 v59, v60  }
0x199: {  	v32 =	vsub.s32 $0x3, v32;
	v62 =	vperm.xlane v57, v2;
	v45 =	vperm.xlane v61, v0  }
0x19a: {  	v51 =	vadd.s32 $0xFFFFFFFC, v22;
	v52 =	vsel vm11, $0x1, v4;
	v32 =	vmul.u32 $0x6, v32  }
0x19b: {  	vm9 =	vlt.f32 v17, v31;
	v39 =	vadd.f32 v57, v62;
	v31 =	vmax.f32 v61, v45  }
0x19c: {  	v55 =	vmin.u32 v51, v22;
	v20 =	vadd.s32 v52, v20;
	v10 =	vperm.xlane v31, v1  }
0x19d: {  	v51 =	vsub.f32 v18, v24;
	v52 =	vsub.f32 v16, v24;
	v48 =	vperm.xlane v39, v3  }
0x19e: {  	vm12 =	vlt.f32 v18, v28;
	vm13 =	vlt.f32 v19, v28;
	v10 =	vmax.f32 v31, v10  }
0x19f: {  	v50 =	vadd.f32 v39, v48;
	v39 =	vadd.s32 v11, v21;
	v11 =	vperm.xlane v10, v2  }
0x1a0: {  	vm14 =	vlt.f32 v16, v28;
	v32 =	vshll.u32 v5, v32;
	v63 =	vsel vm9, $0x1, v4  }
0x1a1: {  	v32 =	vnsel vm1, $0x0, v32;
	vm1 =	vlt.u32 v20, $0x4;
	v10 =	vmax.f32 v10, v11  }
0x1a2: {  	v41 =	vadd.s32 v44, v63;
	v11 =	vsel vm12, $0x1, v4;
	v53 =	vperm.xlane v10, v3  }
0x1a3: {  	v58 =	vadd.s32 $0xFFFFFFFC, v39;
	v29 =	vadd.s32 v11, v29;
	v11 =	vsel vm13, $0x1, v4  }
0x1a4: {  	v60 =	vmin.u32 v58, v39;
	v54 =	vadd.s32 v11, v40;
	v21 =	vmax.f32 v10, v53  }
0x1a5: {  	v11 =	vsel vm14, $0x1, v4;
	vm15 =	veq.f32 v34, v21;
	vm9 =	veq.f32 v35, v21  }
0x1a6: {  	vm10 =	veq.f32 v36, v21;
	vm11 =	veq.f32 v37, v21;
	v34 =	vsel vm15, $0xFF800000, v34  }
0x1a7: {  	v35 =	vsel vm9, $0xFF800000, v35;
	v36 =	vsel vm10, $0xFF800000, v36;
	v37 =	vsel vm11, $0xFF800000, v37  }
0x1a8: {  	v38 =	vadd.s32 v11, v38;
	v10 =	vmax.f32 v34, v35;
	v11 =	vmax.f32 v36, v37  }
0x1a9: {  	v45 =	vadd.s32 $0xFFFFFFFC, v20;
	v42 =	vsub.s32 $0x3, v60;
	v56 =	vmax.f32 v10, v11  }
0x1aa: {  	v42 =	vmul.u32 $0x6, v42;
	vm12 =	vlt.f32 v17, v28;
	v57 =	vperm.xlane v56, v0  }
0x1ab: {  	(erf) = vrcp.f32 v50;
	v28 =	vsel vm12, $0x1, v4;
	vm13 =	vlt.f32 v18, v30  }
0x1ac: {  	v42 =	vshll.u32 v6, v42;
	v41 =	vadd.s32 v28, v41;
	v28 =	vmax.f32 v56, v57  }
0x1ad: {  	v59 =	vsel vm13, $0x1, v4;
	v40 =	vsub.s32 $0x3, v55;
	v61 =	vperm.xlane v28, v1  }
0x1ae: {  	vm14 =	vlt.f32 v19, v30;
	vm13 =	vlt.u32 v23, $0x4;
	v42 =	vnsel vm2, $0x0, v42  }
0x1af: {  	v29 =	vadd.s32 v59, v29;
	v40 =	vmul.u32 $0x6, v40;
	v28 =	vmax.f32 v28, v61  }
0x1b0: {  	v62 =	vsel vm14, $0x1, v4;
	vm14 =	vlt.u32 v22, $0x4;
	v63 =	vperm.xlane v28, v2  }
0x1b1: {  	v22 =	vmul.f32 $1.442695020e+00, v51;
	v53 =	vsub.f32 v19, v24;
	v24 =	vsub.f32 v17, v24  }
0x1b2: {  	v55 =	vnsel vm13, $0x0, v32;
	vm13 =	vlt.f32 v19, v12;
	v28 =	vmax.f32 v28, v63  }
0x1b3: {  	v31 =	vadd.s32 v62, v54;
	vm8 =	vlt.f32 v18, v21;
	v47 =	vperm.xlane v28, v3  }
0x1b4: {  	vm15 =	vlt.f32 v16, v30;
	vm9 =	vlt.f32 v17, v30;
	v30 =	vmin.u32 v45, v20  }
0x1b5: {  	v40 =	vshll.u32 v7, v40;
	(erf) = vpow2.f32 v22;
	v28 =	vmax.f32 v28, v47  }
0x1b6: {  	v24 =	vmul.f32 $1.442695020e+00, v24;
	vm10 =	veq.f32 v34, v28;
	vm11 =	veq.f32 v35, v28  }
0x1b7: {  	vm12 =	veq.f32 v36, v28;
	vm7 =	veq.f32 v37, v28;
	v34 =	vsel vm10, $0xFF800000, v34  }
0x1b8: {  	v35 =	vsel vm11, $0xFF800000, v35;
	v36 =	vsel vm12, $0xFF800000, v36;
	v37 =	vsel vm7, $0xFF800000, v37  }
0x1b9: {  	v46 =	vsel vm15, $0x1, v4;
	v11 =	vpop (erf);
	v49 =	vmax.f32 v34, v35;
	v50 =	vmax.f32 v36, v37  }
0x1ba: {  	v48 =	vsel vm9, $0x1, v4;
	v10 =	vmul.f32 v11, v33;
	v23 =	vmax.f32 v49, v50  }
0x1bb: {  	v33 =	vadd.s32 v46, v38;
	v38 =	vadd.s32 v48, v41;
	v41 =	vperm.xlane v23, v0  }
0x1bc: {  	v30 =	vsub.s32 $0x3, v30;
	vm15 =	vlt.u32 v39, $0x4;
	v40 =	vnsel vm4, $0x0, v40  }
0x1bd: {  	v39 =	vmul.f32 $1.442695020e+00, v52;
	v30 =	vmul.u32 $0x6, v30;
	v23 =	vmax.f32 v23, v41  }
0x1be: {  	v32 =	vadd.s32 v40, v32;
	v58 =	vnsel vm15, $0x0, v42;
	v54 =	vperm.xlane v23, v1  }
0x1bf: {  	vm15 =	vlt.f32 v17, v12;
	(erf) = vpow2.f32 v39;
	v41 =	vmul.f32 $1.442695020e+00, v53  }
0x1c0: {  	v60 =	vadd.s32 v58, v55;
	v32 =	vadd.s32 v42, v32;
	v22 =	vmax.f32 v23, v54  }
0x1c1: {  	v30 =	vshll.u32 v8, v30;
	(erf) = vpow2.f32 v41;
	v57 =	vperm.xlane v22, v2  }
0x1c2: {  	v51 =	vsel vm15, $0x1, v4;
	v56 =	vnsel vm14, $0x0, v40;
	v30 =	vnsel vm3, $0x0, v30  }
0x1c3: {  	vm14 =	vlt.f32 v16, v12;
	(erf) = vpow2.f32 v24;
	v22 =	vmax.f32 v22, v57  }
0x1c4: {  	v26 =	vmul.f32 v11, v26;
	v59 =	vadd.s32 v55, v56;
	v62 =	vperm.xlane v22, v3  }
0x1c5: {  	v25 =	vmul.f32 v11, v25;
	v48 =	vsel vm14, $0x1, v4;
	v61 =	vadd.s32 v58, v59  }
0x1c6: {  	v63 =	vnsel vm1, $0x0, v30;
	vm1 =	veq.f32 v34, $-Inf;
	v22 =	vmax.f32 v22, v62  }
0x1c7: {  	v42 =	vpop (erf);
	vm9 =	veq.f32 v35, $-Inf;
	vm2 =	veq.f32 v34, v22;
	vm3 =	veq.f32 v35, v22  }
0x1c8: {  	v43 =	vpop (erf);
	vm10 =	veq.f32 v36, v22;
	vm2 =	vmor vm1, vm2;
	vm1 =	vmor vm9, vm3  }
0x1c9: {  	vm3 =	veq.f32 v36, $-Inf;
	v23 =	vnsel vm2, $0x0, v42;
	v20 =	vnsel vm1, $0x0, v43  }
0x1ca: {  	v32 =	vsub.s32 v32, v61;
	v44 =	vpop (erf);
	vm4 =	vmor vm3, vm10;
	v34 =	vadd.f32 v20, v23  }
0x1cb: {  	vm11 =	veq.f32 v37, $-Inf;
	vm3 =	veq.f32 v37, v22;
	v22 =	vnsel vm4, $0x0, v44  }
0x1cc: {  	v30 =	vsub.s32 v30, v63;
	v45 =	vpop (erf);
	vm3 =	vmor vm11, vm3;
	v34 =	vadd.f32 v34, v22  }
0x1cd: {  	v30 =	vadd.s32 v30, v32;
	v47 =	vsel vm13, $0x1, v4;
	v35 =	vnsel vm3, $0x0, v45  }
0x1ce: {  	v32 =	vperm.xlane v30, v0;
	v31 =	vadd.s32 v47, v31;
	v34 =	vadd.f32 v34, v35  }
0x1cf: {  	vm13 =	vlt.f32 v19, v28;
	vm14 =	vlt.f32 v16, v28;
	vm15 =	vlt.f32 v17, v28  }
0x1d0: {  	vm12 =	vlt.f32 v18, v12;
	v55 =	vadd.s32 v32, v30;
	v50 =	vperm.xlane v34, v0  }
0x1d1: {  	v46 =	vsel vm12, $0x1, v4;
	vm12 =	vlt.f32 v18, v28;
	v28 =	vsel vm15, $0x1, v4  }
0x1d2: {  	v29 =	vadd.s32 v46, v29;
	v24 =	vadd.s32 v56, v60;
	v52 =	vadd.f32 v34, v50  }
0x1d3: {  	v49 =	vadd.s32 v48, v33;
	v24 =	vadd.s32 v63, v24;
	v57 =	vsel vm8, $0x1, v4  }
0x1d4: {  	v63 =	vsel vm12, $0x1, v4;
	v29 =	vadd.s32 v57, v29;
	v56 =	vperm.xlane v52, v1  }
0x1d5: {  	v53 =	vadd.s32 v51, v38;
	vm9 =	vlt.f32 v19, v21;
	v19 =	vadd.s32 v63, v29  }
0x1d6: {  	v36 =	vsel vm14, $0x1, v4;
	vm10 =	vlt.f32 v16, v21;
	v15 =	vadd.f32 v52, v56  }
0x1d7: {  	v58 =	vsel vm9, $0x1, v4;
	v37 =	vadd.s32 $0xFFFFFFFC, v19;
	v59 =	vsel vm10, $0x1, v4  }
0x1d8: {  	vm11 =	vlt.f32 v17, v21;
	v30 =	vadd.s32 v58, v31;
	v60 =	vperm.xlane v15, v2  }
0x1d9: {  	v31 =	vsel vm13, $0x1, v4;
	v39 =	vmin.u32 v37, v19;
	v12 =	vadd.s32 v59, v49  }
0x1da: {  	v61 =	vsel vm11, $0x1, v4;
	v21 =	vadd.s32 v31, v30;
	v15 =	vadd.f32 v15, v60  }
0x1db: {  	v17 =	vsub.s32 $0x3, v39;
	v62 =	vadd.s32 v61, v53;
	v12 =	vadd.s32 v36, v12  }
0x1dc: {  	v38 =	vadd.s32 $0xFFFFFFFC, v21;
	v17 =	vmul.u32 $0x6, v17;
	v33 =	vperm.xlane v15, v3  }
0x1dd: {  	v40 =	vmin.u32 v38, v21;
	v41 =	vadd.s32 $0xFFFFFFFC, v12;
	v18 =	vadd.s32 v28, v62  }
0x1de: {  	v16 =	vmin.u32 v41, v12;
	v28 =	vadd.s32 $0xFFFFFFFC, v18;
	v15 =	vadd.f32 v15, v33  }
0x1df: {  	v17 =	vshll.u32 v5, v17;
	v16 =	vsub.s32 $0x3, v16;
	v28 =	vmin.u32 v28, v18  }
0x1e0: {  	v17 =	vnsel vm2, $0x0, v17;
	(erf) = vrcp.f32 v15;
	v15 =	vsub.s32 $0x3, v40  }
0x1e1: {  	vm2 =	vlt.u32 v19, $0x4;
	v16 =	vmul.u32 $0x6, v16;
	v15 =	vmul.u32 $0x6, v15  }
0x1e2: {  	v32 =	vperm.xlane v55, v1;
	v28 =	vsub.s32 $0x3, v28;
	v19 =	vnsel vm2, $0x0, v17  }
0x1e3: {  	v28 =	vmul.u32 $0x6, v28;
	v16 =	vshll.u32 v6, v16;
	v15 =	vshll.u32 v7, v15  }
0x1e4: {  	v16 =	vnsel vm1, $0x0, v16;
	vm1 =	vlt.u32 v21, $0x4;
	v15 =	vnsel vm4, $0x0, v15  }
0x1e5: {  	v42 =	vshll.u32 v8, v28;
	v21 =	vnsel vm1, $0x0, v15;
	vm1 =	vlt.u32 v12, $0x4  }
0x1e6: {  	v15 =	vadd.s32 v15, v17;
	v12 =	vnsel vm3, $0x0, v42;
	v43 =	vnsel vm1, $0x0, v16  }
0x1e7: {  	v44 =	vadd.s32 v19, v21;
	vm1 =	vlt.u32 v18, $0x4;
	v15 =	vadd.s32 v16, v15  }
0x1e8: {  	v45 =	vadd.s32 v43, v19;
	v17 =	vadd.s32 v43, v44;
	v46 =	vnsel vm1, $0x0, v12  }
0x1e9: {  	v47 =	vadd.s32 v21, v45;
	v12 =	vsub.s32 v12, v46;
	v15 =	vsub.s32 v15, v17  }
0x1ea: {  	v54 =	vperm.xlane v24, v0;
	v12 =	vadd.s32 v12, v15;
	v48 =	vadd.s32 v46, v47  }
0x1eb: {  	v53 =	vadd.s32 v32, v55;
	v50 =	vperm.xlane v12, v0;
	v51 =	vperm.xlane v48, v0  }
0x1ec: {  	v11 =	vmul.f32 v11, v14;
	v49 =	vadd.s32 v54, v24;
	v54 =	vperm.xlane v53, v2  }
0x1ed: {  	v52 =	vperm.xlane v49, v1;
	v12 =	vadd.s32 v50, v12;
	v14 =	vadd.s32 v51, v48  }
0x1ee: {  	v19 =	vadd.s32 v54, v53;
	v16 =	vperm.xlane v12, v1;
	v17 =	vperm.xlane v14, v1  }
0x1ef: {  	v13 =	vshra.s32 v13, v9;
	[tilespmem:s12+$0x8030] =	vst v10;
	v10 =	vperm.xlane v19, v3;
	v15 =	vadd.s32 v52, v49  }
0x1f0: {  	v18 =	vperm.xlane v15, v2;
	v12 =	vadd.s32 v16, v12;
	v14 =	vadd.s32 v17, v14  }
0x1f1: {  	v13 =	vand.u32 $0x3F, v13;
	[tilespmem:s12+$0x8000] =	vst v26;
	v55 =	vpop (erf);
	v56 =	vperm.xlane v12, v2;
	v57 =	vperm.xlane v14, v2  }
0x1f2: {  	[tilespmem:s12+$0x8020] =	vst v11;
	v59 =	vmul.f32 v55, v35;
	v11 =	vmul.f32 v55, v23;
	v15 =	vadd.s32 v18, v15  }
0x1f3: {  	[tilespmem:s12+$0x8010] =	vst v25;
	v58 =	vperm.xlane v15, v3;
	v12 =	vadd.s32 v56, v12;
	v14 =	vadd.s32 v57, v14  }
0x1f4: {  	[tilespmem:s11+$0x10000] =	vst v13;
	v10 =	vadd.s32 v10, v19;
	v61 =	vperm.xlane v12, v3;
	v62 =	vperm.xlane v14, v3  }
0x1f5: {  	v63 =	vmul.f32 v55, v20;
	[tilespmem:s13+$0x8000] =	vst v11;
	v11 =	vmul.f32 v55, v22;
	v60 =	vadd.s32 v58, v15  }
0x1f6: {  	[tilespmem:s13+$0x8030] =	vst v59;
	v10 =	vsel vm0, v60, v10;
	v12 =	vadd.s32 v61, v12;
	v14 =	vadd.s32 v62, v14  }
0x1f7: {  	[tilespmem:s13+$0x8010] =	vst v63;
	v10 =	vshra.s32 v10, v9;
	v12 =	vsel vm0, v14, v12  }
0x1f8: {  	[tilespmem:s13+$0x8020] =	vst v11;
	v10 =	vand.u32 $0x3F, v10;
	v11 =	vshra.s32 v12, v9  }
0x1f9: {  	[tilespmem:s12+$0x10000] =	vst v10;
	v10 =	vand.u32 $0x3F, v11  }
0x1fa: {  	[tilespmem:s13+$0x10000] =	vst v10  }
0x1fb: {  	[hbm4b:s4+s2] =	stream.linear.scatter [tilespmem:s8], [sflag:$0x1], $0x8000, $0x38;
	[tilespmem:$0x18000] =	vst v63  }
0x1fc: {  	s10 =	sadd.s32 $0x1, s10;
	_ =	swait.ge [sflag:s7], $0x8000  }
0x1fd: {  	p0 =	sne.s32 s10, s6;
	[sflag:s7] =	ssyncset.done $0x0  }
.Ltmp1:
0x1fe: {  	[sflag:s7] =	ssyncadd.s32 $0xFFFF8000;
	(pc) =	sbr.rel @p0 .LBB2_1-.Ltmp1, $4  }
0x1ff: {  	[hbm4b:s5+s2] =	stream.linear.scatter [tilespmem:s9], [sflag:$0x1], $0x8000, $0x38;
	[tilespmem:$0x18000] =	vst v63  }
0x200: {  	_ =	swait.ge [sflag:s7], $0x8000  }
0x201: {  	[sflag:s7] =	ssyncset.done $0x0  }
0x202: {  	[sflag:s7] =	ssyncadd.s32 $0xFFFF8000  }
0x203: {  	_ =	sfence.sel $0x180000  }
0x204: {  	[bflag:$0x0] =	sbarrier.arrive $0xFFFF  }
0x205: {  	p0 =	sne.s32 s1, $0x0;
	_ =	strace $0x90000047  }
0x206: {  	s0 =	sadd.s32 @!p0 $0x100000, s0;
	[bflag:$0x2] =	sbarrier.arrive $0xFFFF  }
0x207: {  	[sflag:s0] =	ssyncadd.tile.s32 @!p0 $0x1;
	_ =	shalt  }
.Lfunc_end2:
_tile_overlayer_lowered:
.L_overlay_start_2:
0x208: {  	(tag) =	ssettag $0x2  }
0x209: {  	s0 =	rddreg [dreg:$0x0];
	s2 =	stileid.u32  }
0x20a: {  	s1 =	rddreg [dreg:$0x1];
	p0 =	sne.s32 s2, $0x0  }
0x20b: {  	s3 =	rddreg [dreg:$0x2];
	[bflag:$0x3] =	sbarrier.arrive $0xFFFF;
	s2 =	simm.s32 @!p0 $0x1C01  }
0x20c: {  	[timem:s3], [sflag:s2] =	dma.local @!p0 [hbm:s0], s1  }
0x20d: {  	s0 =	simm.s32 @!p0 $0x1  }
0x20e: {  	_ =	swait.ge @!p0 [sflag:s0], s1  }
0x20f: {  	s1 =	ssub.s32 @!p0 $0x0, s1;
	[sflag:s0] =	ssyncset.done @!p0 $0x0  }
0x210: {  	[sflag:s0] =	ssyncadd.s32 @!p0 s1  }
0x211: {  	[bflag:$0x3] =	sbarrier.arrive $0xFFFF  }
0x212: {  	_ =	shalt  }

</sc_bundles>
